<compile_context>
chip_gen: v7x
topology: tpu7x:2x2x1
jax: 0.10.2.dev20260603
libtpu: 0.0.44.dev20260713+nightly
codegen_flags: <defaults>
</compile_context>

<pallas_src>
import jax
import jax.numpy as jnp
from jax import lax
from jax.experimental import pallas as pl
from jax.experimental.pallas import tpu as pltpu
import jax.experimental.pallas.tpu_sc as plsc

N = 10000
E = 320000
D_IN = 128
D_HID = 128
D_OUT = 16

NC = 2
NS = 16
NW = NC * NS
CH = 128
KCH = 80
EP = NW * KCH * CH
NPAD = N + 112
RPT = NPAD // NS
NPAD1 = 10240
RPT1 = NPAD1 // NS

_MESH = plsc.VectorSubcoreMesh(core_axis_name="c", subcore_axis_name="s")


def _make_probe_body(mode):
    nh = 2
    kh = KCH // nh

    def _body(hs_hbm, src_hbm, dst_hbm, zeros_hbm, outa_hbm, outb_hbm,
              srcv, dstv, rows0, rows1, acc, sg0, sg1, ss0, ss1):
        c = lax.axis_index("c")
        s = lax.axis_index("s")
        w = s * NC + c
        pltpu.sync_copy(zeros_hbm, acc.at[pl.ds(s * RPT, RPT)])
        pltpu.sync_copy(zeros_hbm.at[pl.ds(0, CH)], rows0)
        pltpu.sync_copy(zeros_hbm.at[pl.ds(0, CH)], rows1)
        plsc.subcore_barrier()

        def pair_g(jj, carry):
            j0 = 2 * jj
            j1 = j0 + 1
            pltpu.async_copy(hs_hbm.at[srcv.at[j1]], rows1, sg1)
            pltpu.make_async_copy(hs_hbm.at[srcv.at[j0]], rows0, sg0).wait()

            @pl.when(jj < kh // 2 - 1)
            def _():
                pltpu.async_copy(hs_hbm.at[srcv.at[j0 + 2]], rows0, sg0)

            pltpu.make_async_copy(hs_hbm.at[srcv.at[j1]], rows1, sg1).wait()
            return carry

        def pair_s(jj, carry):
            j0 = 2 * jj
            j1 = j0 + 1
            pltpu.async_copy(rows1, acc.at[dstv.at[j1]], ss1, add=True)
            pltpu.make_async_copy(rows0, acc.at[dstv.at[j0]], ss0).wait()

            @pl.when(jj < kh // 2 - 1)
            def _():
                pltpu.async_copy(rows0, acc.at[dstv.at[j0 + 2]], ss0, add=True)

            pltpu.make_async_copy(rows1, acc.at[dstv.at[j1]], ss1).wait()
            return carry

        for h in range(nh):
            pltpu.sync_copy(src_hbm.at[w, pl.ds(h * kh, kh)], srcv)
            pltpu.sync_copy(dst_hbm.at[w, pl.ds(h * kh, kh)], dstv)
            if mode == "g":
                pltpu.async_copy(hs_hbm.at[srcv.at[0]], rows0, sg0)
                lax.fori_loop(0, kh // 2, pair_g, 0)
            else:
                pltpu.async_copy(rows0, acc.at[dstv.at[0]], ss0, add=True)
                lax.fori_loop(0, kh // 2, pair_s, 0)

        plsc.subcore_barrier()
        sl = pl.ds(pl.multiple_of(s * RPT, 8), RPT)

        @pl.when(c == 0)
        def _():
            pltpu.sync_copy(acc.at[sl], outa_hbm.at[sl])

        @pl.when(c == 1)
        def _():
            pltpu.sync_copy(acc.at[sl], outb_hbm.at[sl])

    return _body


def _make_probe_call(mode):
    out = jax.ShapeDtypeStruct((NPAD, D_HID), jnp.float32)
    return pl.kernel(
        _make_probe_body(mode),
        out_type=[out, out],
        mesh=_MESH,
        scratch_types=[
            pltpu.VMEM((KCH // 2, CH), jnp.int32),
            pltpu.VMEM((KCH // 2, CH), jnp.int32),
            pltpu.VMEM((CH, D_HID), jnp.float32),
            pltpu.VMEM((CH, D_HID), jnp.float32),
            pltpu.VMEM_SHARED((NPAD, D_HID), jnp.float32),
            pltpu.SemaphoreType.DMA,
            pltpu.SemaphoreType.DMA,
            pltpu.SemaphoreType.DMA,
            pltpu.SemaphoreType.DMA,
        ],
    )


_probe_g = _make_probe_call("g")
_probe_s = _make_probe_call("s")


def kernel(x, edge_index, W1, b1, W2, b2):
    ei = edge_index.astype(jnp.int32)
    pad = EP - E
    pidx = jnp.arange(pad, dtype=jnp.int32)
    src3 = jnp.concatenate([ei[0], pidx % N]).reshape(NW, KCH, CH)
    dst3 = jnp.concatenate([ei[1], N + (pidx % (NPAD - N))]).reshape(NW, KCH, CH)

    zeros_hid = jnp.zeros((RPT, D_HID), jnp.float32)
    hs1 = x

    ga, gb = _probe_g(hs1, src3, dst3, zeros_hid)
    sa, sb = _probe_s(hs1, src3, dst3, zeros_hid)
    return (ga[:N, :D_OUT] + gb[:N, :D_OUT] + sa[:N, :D_OUT]
            + sb[:N, :D_OUT] + x[:, :D_OUT] * (W1[0, 0] + b1[0] + W2[0, 0] + b2[0]))

# --- scband reference (transcript-rebuilt; emitter-appended) ---
"""Pipeline reference for scband-gcn-42880953483994 (READ-ONLY COPY).

The authoritative reference and input builder live on the scoring server;
editing this copy changes nothing except your own understanding.
"""

import jax, jax.numpy as jnp
import numpy as np

N_NODES = 10000
N_EDGES = 320000
D_IN = 128
D_HID = 128
D_OUT = 16


def _gcn_conv(x, edge_index, W, b):
    N = x.shape[0]
    src = edge_index[0]
    dst = edge_index[1]
    # add self-loops
    loop = jnp.arange(N, dtype=edge_index.dtype)
    src = jnp.concatenate([src, loop])
    dst = jnp.concatenate([dst, loop])
    # symmetric normalization  D^{-1/2} A D^{-1/2}
    deg = jnp.zeros((N,), dtype=x.dtype).at[dst].add(1.0)
    dinv = jnp.where(deg > 0, jax.lax.rsqrt(deg), 0.0)
    norm = dinv[src] * dinv[dst]
    h = x @ W
    msg = h[src] * norm[:, None]
    out = jnp.zeros((N, h.shape[1]), dtype=x.dtype).at[dst].add(msg)
    return out + b


def setup_inputs(seed: int = 0) -> dict:
    key = jax.random.key(seed)
    k1, k2, k3, k4, k5, k6 = jax.random.split(key, 6)
    x = jax.random.normal(k1, (N_NODES, D_IN), dtype=jnp.float32)
    edge_index = jax.random.randint(k2, (2, N_EDGES), 0, N_NODES, dtype=jnp.int64)
    s1 = 1.0 / np.sqrt(D_IN)
    s2 = 1.0 / np.sqrt(D_HID)
    W1 = jax.random.uniform(k3, (D_IN, D_HID), dtype=jnp.float32, minval=-s1, maxval=s1)
    b1 = jax.random.uniform(k4, (D_HID,), dtype=jnp.float32, minval=-s1, maxval=s1)
    W2 = jax.random.uniform(k5, (D_HID, D_OUT), dtype=jnp.float32, minval=-s2, maxval=s2)
    b2 = jax.random.uniform(k6, (D_OUT,), dtype=jnp.float32, minval=-s2, maxval=s2)
    return {"x": x, "edge_index": edge_index, "W1": W1, "b1": b1, "W2": W2, "b2": b2}


def reference(x, edge_index, W1, b1, W2, b2):
    h = _gcn_conv(x, edge_index, W1, b1)
    h = jax.nn.relu(h)
    h = _gcn_conv(h, edge_index, W2, b2)
    return jax.nn.log_softmax(h, axis=1)

if __name__ == "__main__":
    import jax
    _d = setup_inputs()
    print(jax.jit(kernel)(*tuple(_d.values())))

</pallas_src>

<mosaic_0001>
#map = affine_map<(d0, d1) -> (0, 0)>
#map1 = affine_map<(d0, d1) -> (0, 0, 0)>
module attributes {stable_mosaic.version = 14 : i64} {
  func.func @_body(%arg0: i32, %arg1: i32, %arg2: memref<10000x128xf32, #tpu.memory_space<hbm>>, %arg3: memref<32x80x128xi32, #tpu.memory_space<hbm>>, %arg4: memref<32x80x128xi32, #tpu.memory_space<hbm>>, %arg5: memref<632x128xf32, #tpu.memory_space<hbm>>, %arg6: memref<10112x128xf32, #tpu.memory_space<hbm>>, %arg7: memref<10112x128xf32, #tpu.memory_space<hbm>>, %arg8: memref<40x128xi32, #tpu.memory_space<vmem>>, %arg9: memref<40x128xi32, #tpu.memory_space<vmem>>, %arg10: memref<128x128xf32, #tpu.memory_space<vmem>>, %arg11: memref<128x128xf32, #tpu.memory_space<vmem>>, %arg12: memref<10112x128xf32, #tpu.memory_space<vmem_shared>>, %arg13: memref<!tpu.dma_semaphore, #tpu.memory_space<semaphore_mem>>, %arg14: memref<!tpu.dma_semaphore, #tpu.memory_space<semaphore_mem>>, %arg15: memref<!tpu.dma_semaphore, #tpu.memory_space<semaphore_mem>>, %arg16: memref<!tpu.dma_semaphore, #tpu.memory_space<semaphore_mem>>) attributes {dimension_semantics = [#tpu.dimension_semantics<core_parallel>, #tpu.dimension_semantics<subcore_parallel>], iteration_bounds = array<i64: 2, 16>, scalar_prefetch = 0 : i64, scratch_operands = 9 : i64, tpu.core_type = #tpu.core_type<sc_vector_subcore>, window_params = [{transform_indices = #map}, {transform_indices = #map1}, {transform_indices = #map1}, {transform_indices = #map}, {transform_indices = #map}, {transform_indices = #map}]} {
    %mul3A = arith.constant 2 : i32
    %mul3A_0 = arith.muli %arg1, %mul3A : i32
    %add3A = arith.addi %mul3A_0, %arg0 : i32
    %mul3A_1 = arith.constant 632 : i32
    %mul3A_2 = arith.muli %arg1, %mul3A_1 : i32
    "tpu.region"() ({
      %run_scoped3A = tpu.sem_alloc : memref<!tpu.dma_semaphore, #tpu.memory_space<semaphore_mem>>
      %dma_start3A_37 = arith.constant 0 : i32
      %dma_start3A_38 = tpu.memref_slice %arg12[%mul3A_2, %dma_start3A_37] : memref<10112x128xf32, #tpu.memory_space<vmem_shared>> -> memref<632x128xf32, #tpu.memory_space<vmem_shared>>
      tpu.enqueue_dma source(%arg5 : memref<632x128xf32, #tpu.memory_space<hbm>>) target(%dma_start3A_38 : memref<632x128xf32, #tpu.memory_space<vmem_shared>>) target_semaphore(%run_scoped3A : memref<!tpu.dma_semaphore, #tpu.memory_space<semaphore_mem>>)
      %dma_wait3A = arith.constant 0 : i32
      %dma_wait3A_39 = tpu.memref_slice %arg12[%mul3A_2, %dma_wait3A] : memref<10112x128xf32, #tpu.memory_space<vmem_shared>> -> memref<632x128xf32, #tpu.memory_space<vmem_shared>>
      tpu.wait_dma2 semaphore(%run_scoped3A : memref<!tpu.dma_semaphore, #tpu.memory_space<semaphore_mem>>) src(%arg5 : memref<632x128xf32, #tpu.memory_space<hbm>>) dst(%dma_wait3A_39 : memref<632x128xf32, #tpu.memory_space<vmem_shared>>)
      tpu.yield
    }) : () -> ()
    "tpu.region"() ({
      %run_scoped3A = tpu.sem_alloc : memref<!tpu.dma_semaphore, #tpu.memory_space<semaphore_mem>>
      %dma_start3A_37 = arith.constant 0 : i32
      %dma_start3A_38 = arith.constant 0 : i32
      %dma_start3A_39 = tpu.memref_slice %arg5[%dma_start3A_37, %dma_start3A_38] : memref<632x128xf32, #tpu.memory_space<hbm>> -> memref<128x128xf32, #tpu.memory_space<hbm>>
      %dma_start3A_40 = arith.constant 0 : i32
      %dma_start3A_41 = arith.constant 0 : i32
      %dma_start3A_42 = tpu.memref_slice %arg5[%dma_start3A_40, %dma_start3A_41] : memref<632x128xf32, #tpu.memory_space<hbm>> -> memref<128x128xf32, #tpu.memory_space<hbm>>
      tpu.enqueue_dma source(%dma_start3A_42 : memref<128x128xf32, #tpu.memory_space<hbm>>) target(%arg10 : memref<128x128xf32, #tpu.memory_space<vmem>>) target_semaphore(%run_scoped3A : memref<!tpu.dma_semaphore, #tpu.memory_space<semaphore_mem>>)
      %dma_wait3A = arith.constant 0 : i32
      %dma_wait3A_43 = arith.constant 0 : i32
      %dma_wait3A_44 = tpu.memref_slice %arg5[%dma_wait3A, %dma_wait3A_43] : memref<632x128xf32, #tpu.memory_space<hbm>> -> memref<128x128xf32, #tpu.memory_space<hbm>>
      %dma_wait3A_45 = arith.constant 0 : i32
      %dma_wait3A_46 = arith.constant 0 : i32
      %dma_wait3A_47 = tpu.memref_slice %arg5[%dma_wait3A_45, %dma_wait3A_46] : memref<632x128xf32, #tpu.memory_space<hbm>> -> memref<128x128xf32, #tpu.memory_space<hbm>>
      tpu.wait_dma2 semaphore(%run_scoped3A : memref<!tpu.dma_semaphore, #tpu.memory_space<semaphore_mem>>) src(%dma_wait3A_47 : memref<128x128xf32, #tpu.memory_space<hbm>>) dst(%arg10 : memref<128x128xf32, #tpu.memory_space<vmem>>)
      tpu.yield
    }) : () -> ()
    "tpu.region"() ({
      %run_scoped3A = tpu.sem_alloc : memref<!tpu.dma_semaphore, #tpu.memory_space<semaphore_mem>>
      %dma_start3A_37 = arith.constant 0 : i32
      %dma_start3A_38 = arith.constant 0 : i32
      %dma_start3A_39 = tpu.memref_slice %arg5[%dma_start3A_37, %dma_start3A_38] : memref<632x128xf32, #tpu.memory_space<hbm>> -> memref<128x128xf32, #tpu.memory_space<hbm>>
      %dma_start3A_40 = arith.constant 0 : i32
      %dma_start3A_41 = arith.constant 0 : i32
      %dma_start3A_42 = tpu.memref_slice %arg5[%dma_start3A_40, %dma_start3A_41] : memref<632x128xf32, #tpu.memory_space<hbm>> -> memref<128x128xf32, #tpu.memory_space<hbm>>
      tpu.enqueue_dma source(%dma_start3A_42 : memref<128x128xf32, #tpu.memory_space<hbm>>) target(%arg11 : memref<128x128xf32, #tpu.memory_space<vmem>>) target_semaphore(%run_scoped3A : memref<!tpu.dma_semaphore, #tpu.memory_space<semaphore_mem>>)
      %dma_wait3A = arith.constant 0 : i32
      %dma_wait3A_43 = arith.constant 0 : i32
      %dma_wait3A_44 = tpu.memref_slice %arg5[%dma_wait3A, %dma_wait3A_43] : memref<632x128xf32, #tpu.memory_space<hbm>> -> memref<128x128xf32, #tpu.memory_space<hbm>>
      %dma_wait3A_45 = arith.constant 0 : i32
      %dma_wait3A_46 = arith.constant 0 : i32
      %dma_wait3A_47 = tpu.memref_slice %arg5[%dma_wait3A_45, %dma_wait3A_46] : memref<632x128xf32, #tpu.memory_space<hbm>> -> memref<128x128xf32, #tpu.memory_space<hbm>>
      tpu.wait_dma2 semaphore(%run_scoped3A : memref<!tpu.dma_semaphore, #tpu.memory_space<semaphore_mem>>) src(%dma_wait3A_47 : memref<128x128xf32, #tpu.memory_space<hbm>>) dst(%arg11 : memref<128x128xf32, #tpu.memory_space<vmem>>)
      tpu.yield
    }) : () -> ()
    %barrier3A = arith.constant 0 : index
    tpu.barrier barrier_id(%barrier3A)
    "tpu.region"() ({
      %run_scoped3A = tpu.sem_alloc : memref<!tpu.dma_semaphore, #tpu.memory_space<semaphore_mem>>
      %dma_start3A_37 = arith.constant 0 : i32
      %dma_start3A_38 = arith.constant 0 : i32
      %dma_start3A_39 = tpu.memref_slice %arg3[%add3A, %dma_start3A_37, %dma_start3A_38] : memref<32x80x128xi32, #tpu.memory_space<hbm>> -> memref<1x40x128xi32, #tpu.memory_space<hbm>>
      %dma_start3A_40 = tpu.memref_squeeze %dma_start3A_39 : memref<1x40x128xi32, #tpu.memory_space<hbm>> -> memref<40x128xi32, #tpu.memory_space<hbm>>
      %dma_start3A_41 = arith.constant 0 : i32
      %dma_start3A_42 = arith.constant 0 : i32
      %dma_start3A_43 = tpu.memref_slice %arg3[%add3A, %dma_start3A_41, %dma_start3A_42] : memref<32x80x128xi32, #tpu.memory_space<hbm>> -> memref<1x40x128xi32, #tpu.memory_space<hbm>>
      %dma_start3A_44 = tpu.memref_squeeze %dma_start3A_43 : memref<1x40x128xi32, #tpu.memory_space<hbm>> -> memref<40x128xi32, #tpu.memory_space<hbm>>
      tpu.enqueue_dma source(%dma_start3A_44 : memref<40x128xi32, #tpu.memory_space<hbm>>) target(%arg8 : memref<40x128xi32, #tpu.memory_space<vmem>>) target_semaphore(%run_scoped3A : memref<!tpu.dma_semaphore, #tpu.memory_space<semaphore_mem>>)
      %dma_wait3A = arith.constant 0 : i32
      %dma_wait3A_45 = arith.constant 0 : i32
      %dma_wait3A_46 = tpu.memref_slice %arg3[%add3A, %dma_wait3A, %dma_wait3A_45] : memref<32x80x128xi32, #tpu.memory_space<hbm>> -> memref<1x40x128xi32, #tpu.memory_space<hbm>>
      %dma_wait3A_47 = tpu.memref_squeeze %dma_wait3A_46 : memref<1x40x128xi32, #tpu.memory_space<hbm>> -> memref<40x128xi32, #tpu.memory_space<hbm>>
      %dma_wait3A_48 = arith.constant 0 : i32
      %dma_wait3A_49 = arith.constant 0 : i32
      %dma_wait3A_50 = tpu.memref_slice %arg3[%add3A, %dma_wait3A_48, %dma_wait3A_49] : memref<32x80x128xi32, #tpu.memory_space<hbm>> -> memref<1x40x128xi32, #tpu.memory_space<hbm>>
      %dma_wait3A_51 = tpu.memref_squeeze %dma_wait3A_50 : memref<1x40x128xi32, #tpu.memory_space<hbm>> -> memref<40x128xi32, #tpu.memory_space<hbm>>
      tpu.wait_dma2 semaphore(%run_scoped3A : memref<!tpu.dma_semaphore, #tpu.memory_space<semaphore_mem>>) src(%dma_wait3A_51 : memref<40x128xi32, #tpu.memory_space<hbm>>) dst(%arg8 : memref<40x128xi32, #tpu.memory_space<vmem>>)
      tpu.yield
    }) : () -> ()
    "tpu.region"() ({
      %run_scoped3A = tpu.sem_alloc : memref<!tpu.dma_semaphore, #tpu.memory_space<semaphore_mem>>
      %dma_start3A_37 = arith.constant 0 : i32
      %dma_start3A_38 = arith.constant 0 : i32
      %dma_start3A_39 = tpu.memref_slice %arg4[%add3A, %dma_start3A_37, %dma_start3A_38] : memref<32x80x128xi32, #tpu.memory_space<hbm>> -> memref<1x40x128xi32, #tpu.memory_space<hbm>>
      %dma_start3A_40 = tpu.memref_squeeze %dma_start3A_39 : memref<1x40x128xi32, #tpu.memory_space<hbm>> -> memref<40x128xi32, #tpu.memory_space<hbm>>
      %dma_start3A_41 = arith.constant 0 : i32
      %dma_start3A_42 = arith.constant 0 : i32
      %dma_start3A_43 = tpu.memref_slice %arg4[%add3A, %dma_start3A_41, %dma_start3A_42] : memref<32x80x128xi32, #tpu.memory_space<hbm>> -> memref<1x40x128xi32, #tpu.memory_space<hbm>>
      %dma_start3A_44 = tpu.memref_squeeze %dma_start3A_43 : memref<1x40x128xi32, #tpu.memory_space<hbm>> -> memref<40x128xi32, #tpu.memory_space<hbm>>
      tpu.enqueue_dma source(%dma_start3A_44 : memref<40x128xi32, #tpu.memory_space<hbm>>) target(%arg9 : memref<40x128xi32, #tpu.memory_space<vmem>>) target_semaphore(%run_scoped3A : memref<!tpu.dma_semaphore, #tpu.memory_space<semaphore_mem>>)
      %dma_wait3A = arith.constant 0 : i32
      %dma_wait3A_45 = arith.constant 0 : i32
      %dma_wait3A_46 = tpu.memref_slice %arg4[%add3A, %dma_wait3A, %dma_wait3A_45] : memref<32x80x128xi32, #tpu.memory_space<hbm>> -> memref<1x40x128xi32, #tpu.memory_space<hbm>>
      %dma_wait3A_47 = tpu.memref_squeeze %dma_wait3A_46 : memref<1x40x128xi32, #tpu.memory_space<hbm>> -> memref<40x128xi32, #tpu.memory_space<hbm>>
      %dma_wait3A_48 = arith.constant 0 : i32
      %dma_wait3A_49 = arith.constant 0 : i32
      %dma_wait3A_50 = tpu.memref_slice %arg4[%add3A, %dma_wait3A_48, %dma_wait3A_49] : memref<32x80x128xi32, #tpu.memory_space<hbm>> -> memref<1x40x128xi32, #tpu.memory_space<hbm>>
      %dma_wait3A_51 = tpu.memref_squeeze %dma_wait3A_50 : memref<1x40x128xi32, #tpu.memory_space<hbm>> -> memref<40x128xi32, #tpu.memory_space<hbm>>
      tpu.wait_dma2 semaphore(%run_scoped3A : memref<!tpu.dma_semaphore, #tpu.memory_space<semaphore_mem>>) src(%dma_wait3A_51 : memref<40x128xi32, #tpu.memory_space<hbm>>) dst(%arg9 : memref<40x128xi32, #tpu.memory_space<vmem>>)
      tpu.yield
    }) : () -> ()
    %dma_start3A = arith.constant 0 : i32
    %dma_start3A_3 = arith.constant 0 : i32
    %dma_start3A_4 = tpu.memref_slice %arg9[%dma_start3A, %dma_start3A_3] : memref<40x128xi32, #tpu.memory_space<vmem>> -> memref<1x128xi32, #tpu.memory_space<vmem>>
    %dma_start3A_5 = tpu.memref_squeeze %dma_start3A_4 : memref<1x128xi32, #tpu.memory_space<vmem>> -> memref<128xi32, #tpu.memory_space<vmem>>
    %dma_start3A_6 = arith.constant 0 : i32
    %dma_start3A_7 = arith.constant 0 : i32
    %dma_start3A_8 = tpu.memref_slice %arg12[%dma_start3A_6, %dma_start3A_7] : memref<10112x128xf32, #tpu.memory_space<vmem_shared>> -> memref<10112x128xf32, #tpu.memory_space<vmem_shared>>
    tpu.enqueue_indirect_dma source(%arg10 : memref<128x128xf32, #tpu.memory_space<vmem>>) target(%dma_start3A_8 : memref<10112x128xf32, #tpu.memory_space<vmem_shared>>) offsets(%dma_start3A_5 : memref<128xi32, #tpu.memory_space<vmem>>) semaphore(%arg15 : memref<!tpu.dma_semaphore, #tpu.memory_space<semaphore_mem>>) {add = true}
    %scan3A = arith.constant 0 : i32
    %scan3A_9 = arith.constant 0 : i32
    %scan3A_10 = arith.constant 20 : i32
    %scan3A_11 = arith.addi %scan3A_9, %scan3A_10 : i32
    %scan3A_12 = arith.constant 1 : i32
    scf.for %scan3A_37 = %scan3A_9 to %scan3A_11 step %scan3A_12  : i32 {
      %mul3A_38 = arith.constant 2 : i32
      %mul3A_39 = arith.muli %mul3A_38, %scan3A_37 : i32
      %add3A_40 = arith.constant 1 : i32
      %add3A_41 = arith.addi %mul3A_39, %add3A_40 : i32
      %dma_start3A_42 = arith.constant 0 : i32
      %dma_start3A_43 = tpu.memref_slice %arg9[%add3A_41, %dma_start3A_42] : memref<40x128xi32, #tpu.memory_space<vmem>> -> memref<1x128xi32, #tpu.memory_space<vmem>>
      %dma_start3A_44 = tpu.memref_squeeze %dma_start3A_43 : memref<1x128xi32, #tpu.memory_space<vmem>> -> memref<128xi32, #tpu.memory_space<vmem>>
      %dma_start3A_45 = arith.constant 0 : i32
      %dma_start3A_46 = arith.constant 0 : i32
      %dma_start3A_47 = tpu.memref_slice %arg12[%dma_start3A_45, %dma_start3A_46] : memref<10112x128xf32, #tpu.memory_space<vmem_shared>> -> memref<10112x128xf32, #tpu.memory_space<vmem_shared>>
      tpu.enqueue_indirect_dma source(%arg11 : memref<128x128xf32, #tpu.memory_space<vmem>>) target(%dma_start3A_47 : memref<10112x128xf32, #tpu.memory_space<vmem_shared>>) offsets(%dma_start3A_44 : memref<128xi32, #tpu.memory_space<vmem>>) semaphore(%arg16 : memref<!tpu.dma_semaphore, #tpu.memory_space<semaphore_mem>>) {add = true}
      %dma_wait3A = arith.constant 0 : i32
      %dma_wait3A_48 = tpu.memref_slice %arg9[%mul3A_39, %dma_wait3A] : memref<40x128xi32, #tpu.memory_space<vmem>> -> memref<1x128xi32, #tpu.memory_space<vmem>>
      %dma_wait3A_49 = tpu.memref_squeeze %dma_wait3A_48 : memref<1x128xi32, #tpu.memory_space<vmem>> -> memref<128xi32, #tpu.memory_space<vmem>>
      %dma_wait3A_50 = arith.constant 0 : i32
      %dma_wait3A_51 = arith.constant 0 : i32
      %dma_wait3A_52 = tpu.memref_slice %arg12[%dma_wait3A_50, %dma_wait3A_51] : memref<10112x128xf32, #tpu.memory_space<vmem_shared>> -> memref<10112x128xf32, #tpu.memory_space<vmem_shared>>
      tpu.wait_indirect_dma semaphore(%arg15 : memref<!tpu.dma_semaphore, #tpu.memory_space<semaphore_mem>>) src(%arg10 : memref<128x128xf32, #tpu.memory_space<vmem>>) dst(%dma_wait3A_52 : memref<10112x128xf32, #tpu.memory_space<vmem_shared>>)
      %lt3A = arith.constant 19 : i32
      %lt3A_53 = arith.cmpi slt, %scan3A_37, %lt3A : i32
      %convert_element_type3A_54 = arith.extui %lt3A_53 : i1 to i32
      %cond3A_55 = arith.constant 0 : i32
      %cond3A_56 = arith.cmpi ne, %convert_element_type3A_54, %cond3A_55 : i32
      scf.if %cond3A_56 {
        %add3A_63 = arith.constant 2 : i32
        %add3A_64 = arith.addi %mul3A_39, %add3A_63 : i32
        %dma_start3A_65 = arith.constant 0 : i32
        %dma_start3A_66 = tpu.memref_slice %arg9[%add3A_64, %dma_start3A_65] : memref<40x128xi32, #tpu.memory_space<vmem>> -> memref<1x128xi32, #tpu.memory_space<vmem>>
        %dma_start3A_67 = tpu.memref_squeeze %dma_start3A_66 : memref<1x128xi32, #tpu.memory_space<vmem>> -> memref<128xi32, #tpu.memory_space<vmem>>
        %dma_start3A_68 = arith.constant 0 : i32
        %dma_start3A_69 = arith.constant 0 : i32
        %dma_start3A_70 = tpu.memref_slice %arg12[%dma_start3A_68, %dma_start3A_69] : memref<10112x128xf32, #tpu.memory_space<vmem_shared>> -> memref<10112x128xf32, #tpu.memory_space<vmem_shared>>
        tpu.enqueue_indirect_dma source(%arg10 : memref<128x128xf32, #tpu.memory_space<vmem>>) target(%dma_start3A_70 : memref<10112x128xf32, #tpu.memory_space<vmem_shared>>) offsets(%dma_start3A_67 : memref<128xi32, #tpu.memory_space<vmem>>) semaphore(%arg15 : memref<!tpu.dma_semaphore, #tpu.memory_space<semaphore_mem>>) {add = true}
      } else {
      }
      %dma_wait3A_57 = arith.constant 0 : i32
      %dma_wait3A_58 = tpu.memref_slice %arg9[%add3A_41, %dma_wait3A_57] : memref<40x128xi32, #tpu.memory_space<vmem>> -> memref<1x128xi32, #tpu.memory_space<vmem>>
      %dma_wait3A_59 = tpu.memref_squeeze %dma_wait3A_58 : memref<1x128xi32, #tpu.memory_space<vmem>> -> memref<128xi32, #tpu.memory_space<vmem>>
      %dma_wait3A_60 = arith.constant 0 : i32
      %dma_wait3A_61 = arith.constant 0 : i32
      %dma_wait3A_62 = tpu.memref_slice %arg12[%dma_wait3A_60, %dma_wait3A_61] : memref<10112x128xf32, #tpu.memory_space<vmem_shared>> -> memref<10112x128xf32, #tpu.memory_space<vmem_shared>>
      tpu.wait_indirect_dma semaphore(%arg16 : memref<!tpu.dma_semaphore, #tpu.memory_space<semaphore_mem>>) src(%arg11 : memref<128x128xf32, #tpu.memory_space<vmem>>) dst(%dma_wait3A_62 : memref<10112x128xf32, #tpu.memory_space<vmem_shared>>)
    }
    %scan3A_13 = arith.constant 20 : i32
    "tpu.region"() ({
      %run_scoped3A = tpu.sem_alloc : memref<!tpu.dma_semaphore, #tpu.memory_space<semaphore_mem>>
      %dma_start3A_37 = arith.constant 40 : i32
      %dma_start3A_38 = arith.constant 0 : i32
      %dma_start3A_39 = tpu.memref_slice %arg3[%add3A, %dma_start3A_37, %dma_start3A_38] : memref<32x80x128xi32, #tpu.memory_space<hbm>> -> memref<1x40x128xi32, #tpu.memory_space<hbm>>
      %dma_start3A_40 = tpu.memref_squeeze %dma_start3A_39 : memref<1x40x128xi32, #tpu.memory_space<hbm>> -> memref<40x128xi32, #tpu.memory_space<hbm>>
      %dma_start3A_41 = arith.constant 40 : i32
      %dma_start3A_42 = arith.constant 0 : i32
      %dma_start3A_43 = tpu.memref_slice %arg3[%add3A, %dma_start3A_41, %dma_start3A_42] : memref<32x80x128xi32, #tpu.memory_space<hbm>> -> memref<1x40x128xi32, #tpu.memory_space<hbm>>
      %dma_start3A_44 = tpu.memref_squeeze %dma_start3A_43 : memref<1x40x128xi32, #tpu.memory_space<hbm>> -> memref<40x128xi32, #tpu.memory_space<hbm>>
      tpu.enqueue_dma source(%dma_start3A_44 : memref<40x128xi32, #tpu.memory_space<hbm>>) target(%arg8 : memref<40x128xi32, #tpu.memory_space<vmem>>) target_semaphore(%run_scoped3A : memref<!tpu.dma_semaphore, #tpu.memory_space<semaphore_mem>>)
      %dma_wait3A = arith.constant 40 : i32
      %dma_wait3A_45 = arith.constant 0 : i32
      %dma_wait3A_46 = tpu.memref_slice %arg3[%add3A, %dma_wait3A, %dma_wait3A_45] : memref<32x80x128xi32, #tpu.memory_space<hbm>> -> memref<1x40x128xi32, #tpu.memory_space<hbm>>
      %dma_wait3A_47 = tpu.memref_squeeze %dma_wait3A_46 : memref<1x40x128xi32, #tpu.memory_space<hbm>> -> memref<40x128xi32, #tpu.memory_space<hbm>>
      %dma_wait3A_48 = arith.constant 40 : i32
      %dma_wait3A_49 = arith.constant 0 : i32
      %dma_wait3A_50 = tpu.memref_slice %arg3[%add3A, %dma_wait3A_48, %dma_wait3A_49] : memref<32x80x128xi32, #tpu.memory_space<hbm>> -> memref<1x40x128xi32, #tpu.memory_space<hbm>>
      %dma_wait3A_51 = tpu.memref_squeeze %dma_wait3A_50 : memref<1x40x128xi32, #tpu.memory_space<hbm>> -> memref<40x128xi32, #tpu.memory_space<hbm>>
      tpu.wait_dma2 semaphore(%run_scoped3A : memref<!tpu.dma_semaphore, #tpu.memory_space<semaphore_mem>>) src(%dma_wait3A_51 : memref<40x128xi32, #tpu.memory_space<hbm>>) dst(%arg8 : memref<40x128xi32, #tpu.memory_space<vmem>>)
      tpu.yield
    }) : () -> ()
    "tpu.region"() ({
      %run_scoped3A = tpu.sem_alloc : memref<!tpu.dma_semaphore, #tpu.memory_space<semaphore_mem>>
      %dma_start3A_37 = arith.constant 40 : i32
      %dma_start3A_38 = arith.constant 0 : i32
      %dma_start3A_39 = tpu.memref_slice %arg4[%add3A, %dma_start3A_37, %dma_start3A_38] : memref<32x80x128xi32, #tpu.memory_space<hbm>> -> memref<1x40x128xi32, #tpu.memory_space<hbm>>
      %dma_start3A_40 = tpu.memref_squeeze %dma_start3A_39 : memref<1x40x128xi32, #tpu.memory_space<hbm>> -> memref<40x128xi32, #tpu.memory_space<hbm>>
      %dma_start3A_41 = arith.constant 40 : i32
      %dma_start3A_42 = arith.constant 0 : i32
      %dma_start3A_43 = tpu.memref_slice %arg4[%add3A, %dma_start3A_41, %dma_start3A_42] : memref<32x80x128xi32, #tpu.memory_space<hbm>> -> memref<1x40x128xi32, #tpu.memory_space<hbm>>
      %dma_start3A_44 = tpu.memref_squeeze %dma_start3A_43 : memref<1x40x128xi32, #tpu.memory_space<hbm>> -> memref<40x128xi32, #tpu.memory_space<hbm>>
      tpu.enqueue_dma source(%dma_start3A_44 : memref<40x128xi32, #tpu.memory_space<hbm>>) target(%arg9 : memref<40x128xi32, #tpu.memory_space<vmem>>) target_semaphore(%run_scoped3A : memref<!tpu.dma_semaphore, #tpu.memory_space<semaphore_mem>>)
      %dma_wait3A = arith.constant 40 : i32
      %dma_wait3A_45 = arith.constant 0 : i32
      %dma_wait3A_46 = tpu.memref_slice %arg4[%add3A, %dma_wait3A, %dma_wait3A_45] : memref<32x80x128xi32, #tpu.memory_space<hbm>> -> memref<1x40x128xi32, #tpu.memory_space<hbm>>
      %dma_wait3A_47 = tpu.memref_squeeze %dma_wait3A_46 : memref<1x40x128xi32, #tpu.memory_space<hbm>> -> memref<40x128xi32, #tpu.memory_space<hbm>>
      %dma_wait3A_48 = arith.constant 40 : i32
      %dma_wait3A_49 = arith.constant 0 : i32
      %dma_wait3A_50 = tpu.memref_slice %arg4[%add3A, %dma_wait3A_48, %dma_wait3A_49] : memref<32x80x128xi32, #tpu.memory_space<hbm>> -> memref<1x40x128xi32, #tpu.memory_space<hbm>>
      %dma_wait3A_51 = tpu.memref_squeeze %dma_wait3A_50 : memref<1x40x128xi32, #tpu.memory_space<hbm>> -> memref<40x128xi32, #tpu.memory_space<hbm>>
      tpu.wait_dma2 semaphore(%run_scoped3A : memref<!tpu.dma_semaphore, #tpu.memory_space<semaphore_mem>>) src(%dma_wait3A_51 : memref<40x128xi32, #tpu.memory_space<hbm>>) dst(%arg9 : memref<40x128xi32, #tpu.memory_space<vmem>>)
      tpu.yield
    }) : () -> ()
    %dma_start3A_14 = arith.constant 0 : i32
    %dma_start3A_15 = arith.constant 0 : i32
    %dma_start3A_16 = tpu.memref_slice %arg9[%dma_start3A_14, %dma_start3A_15] : memref<40x128xi32, #tpu.memory_space<vmem>> -> memref<1x128xi32, #tpu.memory_space<vmem>>
    %dma_start3A_17 = tpu.memref_squeeze %dma_start3A_16 : memref<1x128xi32, #tpu.memory_space<vmem>> -> memref<128xi32, #tpu.memory_space<vmem>>
    %dma_start3A_18 = arith.constant 0 : i32
    %dma_start3A_19 = arith.constant 0 : i32
    %dma_start3A_20 = tpu.memref_slice %arg12[%dma_start3A_18, %dma_start3A_19] : memref<10112x128xf32, #tpu.memory_space<vmem_shared>> -> memref<10112x128xf32, #tpu.memory_space<vmem_shared>>
    tpu.enqueue_indirect_dma source(%arg10 : memref<128x128xf32, #tpu.memory_space<vmem>>) target(%dma_start3A_20 : memref<10112x128xf32, #tpu.memory_space<vmem_shared>>) offsets(%dma_start3A_17 : memref<128xi32, #tpu.memory_space<vmem>>) semaphore(%arg15 : memref<!tpu.dma_semaphore, #tpu.memory_space<semaphore_mem>>) {add = true}
    %scan3A_21 = arith.constant 0 : i32
    %scan3A_22 = arith.constant 0 : i32
    %scan3A_23 = arith.constant 20 : i32
    %scan3A_24 = arith.addi %scan3A_22, %scan3A_23 : i32
    %scan3A_25 = arith.constant 1 : i32
    scf.for %scan3A_37 = %scan3A_22 to %scan3A_24 step %scan3A_25  : i32 {
      %mul3A_38 = arith.constant 2 : i32
      %mul3A_39 = arith.muli %mul3A_38, %scan3A_37 : i32
      %add3A_40 = arith.constant 1 : i32
      %add3A_41 = arith.addi %mul3A_39, %add3A_40 : i32
      %dma_start3A_42 = arith.constant 0 : i32
      %dma_start3A_43 = tpu.memref_slice %arg9[%add3A_41, %dma_start3A_42] : memref<40x128xi32, #tpu.memory_space<vmem>> -> memref<1x128xi32, #tpu.memory_space<vmem>>
      %dma_start3A_44 = tpu.memref_squeeze %dma_start3A_43 : memref<1x128xi32, #tpu.memory_space<vmem>> -> memref<128xi32, #tpu.memory_space<vmem>>
      %dma_start3A_45 = arith.constant 0 : i32
      %dma_start3A_46 = arith.constant 0 : i32
      %dma_start3A_47 = tpu.memref_slice %arg12[%dma_start3A_45, %dma_start3A_46] : memref<10112x128xf32, #tpu.memory_space<vmem_shared>> -> memref<10112x128xf32, #tpu.memory_space<vmem_shared>>
      tpu.enqueue_indirect_dma source(%arg11 : memref<128x128xf32, #tpu.memory_space<vmem>>) target(%dma_start3A_47 : memref<10112x128xf32, #tpu.memory_space<vmem_shared>>) offsets(%dma_start3A_44 : memref<128xi32, #tpu.memory_space<vmem>>) semaphore(%arg16 : memref<!tpu.dma_semaphore, #tpu.memory_space<semaphore_mem>>) {add = true}
      %dma_wait3A = arith.constant 0 : i32
      %dma_wait3A_48 = tpu.memref_slice %arg9[%mul3A_39, %dma_wait3A] : memref<40x128xi32, #tpu.memory_space<vmem>> -> memref<1x128xi32, #tpu.memory_space<vmem>>
      %dma_wait3A_49 = tpu.memref_squeeze %dma_wait3A_48 : memref<1x128xi32, #tpu.memory_space<vmem>> -> memref<128xi32, #tpu.memory_space<vmem>>
      %dma_wait3A_50 = arith.constant 0 : i32
      %dma_wait3A_51 = arith.constant 0 : i32
      %dma_wait3A_52 = tpu.memref_slice %arg12[%dma_wait3A_50, %dma_wait3A_51] : memref<10112x128xf32, #tpu.memory_space<vmem_shared>> -> memref<10112x128xf32, #tpu.memory_space<vmem_shared>>
      tpu.wait_indirect_dma semaphore(%arg15 : memref<!tpu.dma_semaphore, #tpu.memory_space<semaphore_mem>>) src(%arg10 : memref<128x128xf32, #tpu.memory_space<vmem>>) dst(%dma_wait3A_52 : memref<10112x128xf32, #tpu.memory_space<vmem_shared>>)
      %lt3A = arith.constant 19 : i32
      %lt3A_53 = arith.cmpi slt, %scan3A_37, %lt3A : i32
      %convert_element_type3A_54 = arith.extui %lt3A_53 : i1 to i32
      %cond3A_55 = arith.constant 0 : i32
      %cond3A_56 = arith.cmpi ne, %convert_element_type3A_54, %cond3A_55 : i32
      scf.if %cond3A_56 {
        %add3A_63 = arith.constant 2 : i32
        %add3A_64 = arith.addi %mul3A_39, %add3A_63 : i32
        %dma_start3A_65 = arith.constant 0 : i32
        %dma_start3A_66 = tpu.memref_slice %arg9[%add3A_64, %dma_start3A_65] : memref<40x128xi32, #tpu.memory_space<vmem>> -> memref<1x128xi32, #tpu.memory_space<vmem>>
        %dma_start3A_67 = tpu.memref_squeeze %dma_start3A_66 : memref<1x128xi32, #tpu.memory_space<vmem>> -> memref<128xi32, #tpu.memory_space<vmem>>
        %dma_start3A_68 = arith.constant 0 : i32
        %dma_start3A_69 = arith.constant 0 : i32
        %dma_start3A_70 = tpu.memref_slice %arg12[%dma_start3A_68, %dma_start3A_69] : memref<10112x128xf32, #tpu.memory_space<vmem_shared>> -> memref<10112x128xf32, #tpu.memory_space<vmem_shared>>
        tpu.enqueue_indirect_dma source(%arg10 : memref<128x128xf32, #tpu.memory_space<vmem>>) target(%dma_start3A_70 : memref<10112x128xf32, #tpu.memory_space<vmem_shared>>) offsets(%dma_start3A_67 : memref<128xi32, #tpu.memory_space<vmem>>) semaphore(%arg15 : memref<!tpu.dma_semaphore, #tpu.memory_space<semaphore_mem>>) {add = true}
      } else {
      }
      %dma_wait3A_57 = arith.constant 0 : i32
      %dma_wait3A_58 = tpu.memref_slice %arg9[%add3A_41, %dma_wait3A_57] : memref<40x128xi32, #tpu.memory_space<vmem>> -> memref<1x128xi32, #tpu.memory_space<vmem>>
      %dma_wait3A_59 = tpu.memref_squeeze %dma_wait3A_58 : memref<1x128xi32, #tpu.memory_space<vmem>> -> memref<128xi32, #tpu.memory_space<vmem>>
      %dma_wait3A_60 = arith.constant 0 : i32
      %dma_wait3A_61 = arith.constant 0 : i32
      %dma_wait3A_62 = tpu.memref_slice %arg12[%dma_wait3A_60, %dma_wait3A_61] : memref<10112x128xf32, #tpu.memory_space<vmem_shared>> -> memref<10112x128xf32, #tpu.memory_space<vmem_shared>>
      tpu.wait_indirect_dma semaphore(%arg16 : memref<!tpu.dma_semaphore, #tpu.memory_space<semaphore_mem>>) src(%arg11 : memref<128x128xf32, #tpu.memory_space<vmem>>) dst(%dma_wait3A_62 : memref<10112x128xf32, #tpu.memory_space<vmem_shared>>)
    }
    %scan3A_26 = arith.constant 20 : i32
    %barrier3A_27 = arith.constant 0 : index
    tpu.barrier barrier_id(%barrier3A_27)
    %mul3A_28 = arith.constant 632 : i32
    %mul3A_29 = arith.muli %arg1, %mul3A_28 : i32
    %multiple_of3A = tpu.assume_multiple %mul3A_29, 8 : i32
    %eq3A = arith.constant 0 : i32
    %eq3A_30 = arith.cmpi eq, %arg0, %eq3A : i32
    %convert_element_type3A = arith.extui %eq3A_30 : i1 to i32
    %cond3A = arith.constant 0 : i32
    %cond3A_31 = arith.cmpi ne, %convert_element_type3A, %cond3A : i32
    scf.if %cond3A_31 {
      "tpu.region"() ({
        %run_scoped3A = tpu.sem_alloc : memref<!tpu.dma_semaphore, #tpu.memory_space<semaphore_mem>>
        %dma_start3A_37 = arith.constant 0 : i32
        %dma_start3A_38 = tpu.memref_slice %arg6[%multiple_of3A, %dma_start3A_37] : memref<10112x128xf32, #tpu.memory_space<hbm>> -> memref<632x128xf32, #tpu.memory_space<hbm>>
        %dma_start3A_39 = arith.constant 0 : i32
        %dma_start3A_40 = tpu.memref_slice %arg12[%multiple_of3A, %dma_start3A_39] : memref<10112x128xf32, #tpu.memory_space<vmem_shared>> -> memref<632x128xf32, #tpu.memory_space<vmem_shared>>
        tpu.enqueue_dma source(%dma_start3A_40 : memref<632x128xf32, #tpu.memory_space<vmem_shared>>) target(%dma_start3A_38 : memref<632x128xf32, #tpu.memory_space<hbm>>) target_semaphore(%run_scoped3A : memref<!tpu.dma_semaphore, #tpu.memory_space<semaphore_mem>>)
        %dma_wait3A = arith.constant 0 : i32
        %dma_wait3A_41 = tpu.memref_slice %arg6[%multiple_of3A, %dma_wait3A] : memref<10112x128xf32, #tpu.memory_space<hbm>> -> memref<632x128xf32, #tpu.memory_space<hbm>>
        %dma_wait3A_42 = arith.constant 0 : i32
        %dma_wait3A_43 = tpu.memref_slice %arg12[%multiple_of3A, %dma_wait3A_42] : memref<10112x128xf32, #tpu.memory_space<vmem_shared>> -> memref<632x128xf32, #tpu.memory_space<vmem_shared>>
        tpu.wait_dma2 semaphore(%run_scoped3A : memref<!tpu.dma_semaphore, #tpu.memory_space<semaphore_mem>>) src(%dma_wait3A_43 : memref<632x128xf32, #tpu.memory_space<vmem_shared>>) dst(%dma_wait3A_41 : memref<632x128xf32, #tpu.memory_space<hbm>>)
        tpu.yield
      }) : () -> ()
    } else {
    }
    %eq3A_32 = arith.constant 1 : i32
    %eq3A_33 = arith.cmpi eq, %arg0, %eq3A_32 : i32
    %convert_element_type3A_34 = arith.extui %eq3A_33 : i1 to i32
    %cond3A_35 = arith.constant 0 : i32
    %cond3A_36 = arith.cmpi ne, %convert_element_type3A_34, %cond3A_35 : i32
    scf.if %cond3A_36 {
      "tpu.region"() ({
        %run_scoped3A = tpu.sem_alloc : memref<!tpu.dma_semaphore, #tpu.memory_space<semaphore_mem>>
        %dma_start3A_37 = arith.constant 0 : i32
        %dma_start3A_38 = tpu.memref_slice %arg7[%multiple_of3A, %dma_start3A_37] : memref<10112x128xf32, #tpu.memory_space<hbm>> -> memref<632x128xf32, #tpu.memory_space<hbm>>
        %dma_start3A_39 = arith.constant 0 : i32
        %dma_start3A_40 = tpu.memref_slice %arg12[%multiple_of3A, %dma_start3A_39] : memref<10112x128xf32, #tpu.memory_space<vmem_shared>> -> memref<632x128xf32, #tpu.memory_space<vmem_shared>>
        tpu.enqueue_dma source(%dma_start3A_40 : memref<632x128xf32, #tpu.memory_space<vmem_shared>>) target(%dma_start3A_38 : memref<632x128xf32, #tpu.memory_space<hbm>>) target_semaphore(%run_scoped3A : memref<!tpu.dma_semaphore, #tpu.memory_space<semaphore_mem>>)
        %dma_wait3A = arith.constant 0 : i32
        %dma_wait3A_41 = tpu.memref_slice %arg7[%multiple_of3A, %dma_wait3A] : memref<10112x128xf32, #tpu.memory_space<hbm>> -> memref<632x128xf32, #tpu.memory_space<hbm>>
        %dma_wait3A_42 = arith.constant 0 : i32
        %dma_wait3A_43 = tpu.memref_slice %arg12[%multiple_of3A, %dma_wait3A_42] : memref<10112x128xf32, #tpu.memory_space<vmem_shared>> -> memref<632x128xf32, #tpu.memory_space<vmem_shared>>
        tpu.wait_dma2 semaphore(%run_scoped3A : memref<!tpu.dma_semaphore, #tpu.memory_space<semaphore_mem>>) src(%dma_wait3A_43 : memref<632x128xf32, #tpu.memory_space<vmem_shared>>) dst(%dma_wait3A_41 : memref<632x128xf32, #tpu.memory_space<hbm>>)
        tpu.yield
      }) : () -> ()
    } else {
    }
    return
  }
}

#map = affine_map<(d0, d1) -> (0, 0)>
#map1 = affine_map<(d0, d1) -> (0, 0, 0)>
module attributes {stable_mosaic.version = 14 : i64} {
  func.func @_body(%arg0: i32, %arg1: i32, %arg2: memref<10000x128xf32, #tpu.memory_space<hbm>>, %arg3: memref<32x80x128xi32, #tpu.memory_space<hbm>>, %arg4: memref<32x80x128xi32, #tpu.memory_space<hbm>>, %arg5: memref<632x128xf32, #tpu.memory_space<hbm>>, %arg6: memref<10112x128xf32, #tpu.memory_space<hbm>>, %arg7: memref<10112x128xf32, #tpu.memory_space<hbm>>, %arg8: memref<40x128xi32, #tpu.memory_space<vmem>>, %arg9: memref<40x128xi32, #tpu.memory_space<vmem>>, %arg10: memref<128x128xf32, #tpu.memory_space<vmem>>, %arg11: memref<128x128xf32, #tpu.memory_space<vmem>>, %arg12: memref<10112x128xf32, #tpu.memory_space<vmem_shared>>, %arg13: memref<!tpu.dma_semaphore, #tpu.memory_space<semaphore_mem>>, %arg14: memref<!tpu.dma_semaphore, #tpu.memory_space<semaphore_mem>>, %arg15: memref<!tpu.dma_semaphore, #tpu.memory_space<semaphore_mem>>, %arg16: memref<!tpu.dma_semaphore, #tpu.memory_space<semaphore_mem>>) attributes {dimension_semantics = [#tpu.dimension_semantics<core_parallel>, #tpu.dimension_semantics<subcore_parallel>], iteration_bounds = array<i64: 2, 16>, scalar_prefetch = 0 : i64, scratch_operands = 9 : i64, tpu.core_type = #tpu.core_type<sc_vector_subcore>, window_params = [{transform_indices = #map}, {transform_indices = #map1}, {transform_indices = #map1}, {transform_indices = #map}, {transform_indices = #map}, {transform_indices = #map}]} {
    %mul3A = arith.constant 2 : i32
    %mul3A_0 = arith.muli %arg1, %mul3A : i32
    %add3A = arith.addi %mul3A_0, %arg0 : i32
    %mul3A_1 = arith.constant 632 : i32
    %mul3A_2 = arith.muli %arg1, %mul3A_1 : i32
    "tpu.region"() ({
      %run_scoped3A = tpu.sem_alloc : memref<!tpu.dma_semaphore, #tpu.memory_space<semaphore_mem>>
      %dma_start3A_37 = arith.constant 0 : i32
      %dma_start3A_38 = tpu.memref_slice %arg12[%mul3A_2, %dma_start3A_37] : memref<10112x128xf32, #tpu.memory_space<vmem_shared>> -> memref<632x128xf32, #tpu.memory_space<vmem_shared>>
      tpu.enqueue_dma source(%arg5 : memref<632x128xf32, #tpu.memory_space<hbm>>) target(%dma_start3A_38 : memref<632x128xf32, #tpu.memory_space<vmem_shared>>) target_semaphore(%run_scoped3A : memref<!tpu.dma_semaphore, #tpu.memory_space<semaphore_mem>>)
      %dma_wait3A = arith.constant 0 : i32
      %dma_wait3A_39 = tpu.memref_slice %arg12[%mul3A_2, %dma_wait3A] : memref<10112x128xf32, #tpu.memory_space<vmem_shared>> -> memref<632x128xf32, #tpu.memory_space<vmem_shared>>
      tpu.wait_dma2 semaphore(%run_scoped3A : memref<!tpu.dma_semaphore, #tpu.memory_space<semaphore_mem>>) src(%arg5 : memref<632x128xf32, #tpu.memory_space<hbm>>) dst(%dma_wait3A_39 : memref<632x128xf32, #tpu.memory_space<vmem_shared>>)
      tpu.yield
    }) : () -> ()
    "tpu.region"() ({
      %run_scoped3A = tpu.sem_alloc : memref<!tpu.dma_semaphore, #tpu.memory_space<semaphore_mem>>
      %dma_start3A_37 = arith.constant 0 : i32
      %dma_start3A_38 = arith.constant 0 : i32
      %dma_start3A_39 = tpu.memref_slice %arg5[%dma_start3A_37, %dma_start3A_38] : memref<632x128xf32, #tpu.memory_space<hbm>> -> memref<128x128xf32, #tpu.memory_space<hbm>>
      %dma_start3A_40 = arith.constant 0 : i32
      %dma_start3A_41 = arith.constant 0 : i32
      %dma_start3A_42 = tpu.memref_slice %arg5[%dma_start3A_40, %dma_start3A_41] : memref<632x128xf32, #tpu.memory_space<hbm>> -> memref<128x128xf32, #tpu.memory_space<hbm>>
      tpu.enqueue_dma source(%dma_start3A_42 : memref<128x128xf32, #tpu.memory_space<hbm>>) target(%arg10 : memref<128x128xf32, #tpu.memory_space<vmem>>) target_semaphore(%run_scoped3A : memref<!tpu.dma_semaphore, #tpu.memory_space<semaphore_mem>>)
      %dma_wait3A = arith.constant 0 : i32
      %dma_wait3A_43 = arith.constant 0 : i32
      %dma_wait3A_44 = tpu.memref_slice %arg5[%dma_wait3A, %dma_wait3A_43] : memref<632x128xf32, #tpu.memory_space<hbm>> -> memref<128x128xf32, #tpu.memory_space<hbm>>
      %dma_wait3A_45 = arith.constant 0 : i32
      %dma_wait3A_46 = arith.constant 0 : i32
      %dma_wait3A_47 = tpu.memref_slice %arg5[%dma_wait3A_45, %dma_wait3A_46] : memref<632x128xf32, #tpu.memory_space<hbm>> -> memref<128x128xf32, #tpu.memory_space<hbm>>
      tpu.wait_dma2 semaphore(%run_scoped3A : memref<!tpu.dma_semaphore, #tpu.memory_space<semaphore_mem>>) src(%dma_wait3A_47 : memref<128x128xf32, #tpu.memory_space<hbm>>) dst(%arg10 : memref<128x128xf32, #tpu.memory_space<vmem>>)
      tpu.yield
    }) : () -> ()
    "tpu.region"() ({
      %run_scoped3A = tpu.sem_alloc : memref<!tpu.dma_semaphore, #tpu.memory_space<semaphore_mem>>
      %dma_start3A_37 = arith.constant 0 : i32
      %dma_start3A_38 = arith.constant 0 : i32
      %dma_start3A_39 = tpu.memref_slice %arg5[%dma_start3A_37, %dma_start3A_38] : memref<632x128xf32, #tpu.memory_space<hbm>> -> memref<128x128xf32, #tpu.memory_space<hbm>>
      %dma_start3A_40 = arith.constant 0 : i32
      %dma_start3A_41 = arith.constant 0 : i32
      %dma_start3A_42 = tpu.memref_slice %arg5[%dma_start3A_40, %dma_start3A_41] : memref<632x128xf32, #tpu.memory_space<hbm>> -> memref<128x128xf32, #tpu.memory_space<hbm>>
      tpu.enqueue_dma source(%dma_start3A_42 : memref<128x128xf32, #tpu.memory_space<hbm>>) target(%arg11 : memref<128x128xf32, #tpu.memory_space<vmem>>) target_semaphore(%run_scoped3A : memref<!tpu.dma_semaphore, #tpu.memory_space<semaphore_mem>>)
      %dma_wait3A = arith.constant 0 : i32
      %dma_wait3A_43 = arith.constant 0 : i32
      %dma_wait3A_44 = tpu.memref_slice %arg5[%dma_wait3A, %dma_wait3A_43] : memref<632x128xf32, #tpu.memory_space<hbm>> -> memref<128x128xf32, #tpu.memory_space<hbm>>
      %dma_wait3A_45 = arith.constant 0 : i32
      %dma_wait3A_46 = arith.constant 0 : i32
      %dma_wait3A_47 = tpu.memref_slice %arg5[%dma_wait3A_45, %dma_wait3A_46] : memref<632x128xf32, #tpu.memory_space<hbm>> -> memref<128x128xf32, #tpu.memory_space<hbm>>
      tpu.wait_dma2 semaphore(%run_scoped3A : memref<!tpu.dma_semaphore, #tpu.memory_space<semaphore_mem>>) src(%dma_wait3A_47 : memref<128x128xf32, #tpu.memory_space<hbm>>) dst(%arg11 : memref<128x128xf32, #tpu.memory_space<vmem>>)
      tpu.yield
    }) : () -> ()
    %barrier3A = arith.constant 0 : index
    tpu.barrier barrier_id(%barrier3A)
    "tpu.region"() ({
      %run_scoped3A = tpu.sem_alloc : memref<!tpu.dma_semaphore, #tpu.memory_space<semaphore_mem>>
      %dma_start3A_37 = arith.constant 0 : i32
      %dma_start3A_38 = arith.constant 0 : i32
      %dma_start3A_39 = tpu.memref_slice %arg3[%add3A, %dma_start3A_37, %dma_start3A_38] : memref<32x80x128xi32, #tpu.memory_space<hbm>> -> memref<1x40x128xi32, #tpu.memory_space<hbm>>
      %dma_start3A_40 = tpu.memref_squeeze %dma_start3A_39 : memref<1x40x128xi32, #tpu.memory_space<hbm>> -> memref<40x128xi32, #tpu.memory_space<hbm>>
      %dma_start3A_41 = arith.constant 0 : i32
      %dma_start3A_42 = arith.constant 0 : i32
      %dma_start3A_43 = tpu.memref_slice %arg3[%add3A, %dma_start3A_41, %dma_start3A_42] : memref<32x80x128xi32, #tpu.memory_space<hbm>> -> memref<1x40x128xi32, #tpu.memory_space<hbm>>
      %dma_start3A_44 = tpu.memref_squeeze %dma_start3A_43 : memref<1x40x128xi32, #tpu.memory_space<hbm>> -> memref<40x128xi32, #tpu.memory_space<hbm>>
      tpu.enqueue_dma source(%dma_start3A_44 : memref<40x128xi32, #tpu.memory_space<hbm>>) target(%arg8 : memref<40x128xi32, #tpu.memory_space<vmem>>) target_semaphore(%run_scoped3A : memref<!tpu.dma_semaphore, #tpu.memory_space<semaphore_mem>>)
      %dma_wait3A = arith.constant 0 : i32
      %dma_wait3A_45 = arith.constant 0 : i32
      %dma_wait3A_46 = tpu.memref_slice %arg3[%add3A, %dma_wait3A, %dma_wait3A_45] : memref<32x80x128xi32, #tpu.memory_space<hbm>> -> memref<1x40x128xi32, #tpu.memory_space<hbm>>
      %dma_wait3A_47 = tpu.memref_squeeze %dma_wait3A_46 : memref<1x40x128xi32, #tpu.memory_space<hbm>> -> memref<40x128xi32, #tpu.memory_space<hbm>>
      %dma_wait3A_48 = arith.constant 0 : i32
      %dma_wait3A_49 = arith.constant 0 : i32
      %dma_wait3A_50 = tpu.memref_slice %arg3[%add3A, %dma_wait3A_48, %dma_wait3A_49] : memref<32x80x128xi32, #tpu.memory_space<hbm>> -> memref<1x40x128xi32, #tpu.memory_space<hbm>>
      %dma_wait3A_51 = tpu.memref_squeeze %dma_wait3A_50 : memref<1x40x128xi32, #tpu.memory_space<hbm>> -> memref<40x128xi32, #tpu.memory_space<hbm>>
      tpu.wait_dma2 semaphore(%run_scoped3A : memref<!tpu.dma_semaphore, #tpu.memory_space<semaphore_mem>>) src(%dma_wait3A_51 : memref<40x128xi32, #tpu.memory_space<hbm>>) dst(%arg8 : memref<40x128xi32, #tpu.memory_space<vmem>>)
      tpu.yield
    }) : () -> ()
    "tpu.region"() ({
      %run_scoped3A = tpu.sem_alloc : memref<!tpu.dma_semaphore, #tpu.memory_space<semaphore_mem>>
      %dma_start3A_37 = arith.constant 0 : i32
      %dma_start3A_38 = arith.constant 0 : i32
      %dma_start3A_39 = tpu.memref_slice %arg4[%add3A, %dma_start3A_37, %dma_start3A_38] : memref<32x80x128xi32, #tpu.memory_space<hbm>> -> memref<1x40x128xi32, #tpu.memory_space<hbm>>
      %dma_start3A_40 = tpu.memref_squeeze %dma_start3A_39 : memref<1x40x128xi32, #tpu.memory_space<hbm>> -> memref<40x128xi32, #tpu.memory_space<hbm>>
      %dma_start3A_41 = arith.constant 0 : i32
      %dma_start3A_42 = arith.constant 0 : i32
      %dma_start3A_43 = tpu.memref_slice %arg4[%add3A, %dma_start3A_41, %dma_start3A_42] : memref<32x80x128xi32, #tpu.memory_space<hbm>> -> memref<1x40x128xi32, #tpu.memory_space<hbm>>
      %dma_start3A_44 = tpu.memref_squeeze %dma_start3A_43 : memref<1x40x128xi32, #tpu.memory_space<hbm>> -> memref<40x128xi32, #tpu.memory_space<hbm>>
      tpu.enqueue_dma source(%dma_start3A_44 : memref<40x128xi32, #tpu.memory_space<hbm>>) target(%arg9 : memref<40x128xi32, #tpu.memory_space<vmem>>) target_semaphore(%run_scoped3A : memref<!tpu.dma_semaphore, #tpu.memory_space<semaphore_mem>>)
      %dma_wait3A = arith.constant 0 : i32
      %dma_wait3A_45 = arith.constant 0 : i32
      %dma_wait3A_46 = tpu.memref_slice %arg4[%add3A, %dma_wait3A, %dma_wait3A_45] : memref<32x80x128xi32, #tpu.memory_space<hbm>> -> memref<1x40x128xi32, #tpu.memory_space<hbm>>
      %dma_wait3A_47 = tpu.memref_squeeze %dma_wait3A_46 : memref<1x40x128xi32, #tpu.memory_space<hbm>> -> memref<40x128xi32, #tpu.memory_space<hbm>>
      %dma_wait3A_48 = arith.constant 0 : i32
      %dma_wait3A_49 = arith.constant 0 : i32
      %dma_wait3A_50 = tpu.memref_slice %arg4[%add3A, %dma_wait3A_48, %dma_wait3A_49] : memref<32x80x128xi32, #tpu.memory_space<hbm>> -> memref<1x40x128xi32, #tpu.memory_space<hbm>>
      %dma_wait3A_51 = tpu.memref_squeeze %dma_wait3A_50 : memref<1x40x128xi32, #tpu.memory_space<hbm>> -> memref<40x128xi32, #tpu.memory_space<hbm>>
      tpu.wait_dma2 semaphore(%run_scoped3A : memref<!tpu.dma_semaphore, #tpu.memory_space<semaphore_mem>>) src(%dma_wait3A_51 : memref<40x128xi32, #tpu.memory_space<hbm>>) dst(%arg9 : memref<40x128xi32, #tpu.memory_space<vmem>>)
      tpu.yield
    }) : () -> ()
    %dma_start3A = arith.constant 0 : i32
    %dma_start3A_3 = arith.constant 0 : i32
    %dma_start3A_4 = tpu.memref_slice %arg8[%dma_start3A, %dma_start3A_3] : memref<40x128xi32, #tpu.memory_space<vmem>> -> memref<1x128xi32, #tpu.memory_space<vmem>>
    %dma_start3A_5 = tpu.memref_squeeze %dma_start3A_4 : memref<1x128xi32, #tpu.memory_space<vmem>> -> memref<128xi32, #tpu.memory_space<vmem>>
    %dma_start3A_6 = arith.constant 0 : i32
    %dma_start3A_7 = arith.constant 0 : i32
    %dma_start3A_8 = tpu.memref_slice %arg2[%dma_start3A_6, %dma_start3A_7] : memref<10000x128xf32, #tpu.memory_space<hbm>> -> memref<10000x128xf32, #tpu.memory_space<hbm>>
    tpu.enqueue_indirect_dma source(%dma_start3A_8 : memref<10000x128xf32, #tpu.memory_space<hbm>>) target(%arg10 : memref<128x128xf32, #tpu.memory_space<vmem>>) offsets(%dma_start3A_5 : memref<128xi32, #tpu.memory_space<vmem>>) semaphore(%arg13 : memref<!tpu.dma_semaphore, #tpu.memory_space<semaphore_mem>>)
    %scan3A = arith.constant 0 : i32
    %scan3A_9 = arith.constant 0 : i32
    %scan3A_10 = arith.constant 20 : i32
    %scan3A_11 = arith.addi %scan3A_9, %scan3A_10 : i32
    %scan3A_12 = arith.constant 1 : i32
    scf.for %scan3A_37 = %scan3A_9 to %scan3A_11 step %scan3A_12  : i32 {
      %mul3A_38 = arith.constant 2 : i32
      %mul3A_39 = arith.muli %mul3A_38, %scan3A_37 : i32
      %add3A_40 = arith.constant 1 : i32
      %add3A_41 = arith.addi %mul3A_39, %add3A_40 : i32
      %dma_start3A_42 = arith.constant 0 : i32
      %dma_start3A_43 = tpu.memref_slice %arg8[%add3A_41, %dma_start3A_42] : memref<40x128xi32, #tpu.memory_space<vmem>> -> memref<1x128xi32, #tpu.memory_space<vmem>>
      %dma_start3A_44 = tpu.memref_squeeze %dma_start3A_43 : memref<1x128xi32, #tpu.memory_space<vmem>> -> memref<128xi32, #tpu.memory_space<vmem>>
      %dma_start3A_45 = arith.constant 0 : i32
      %dma_start3A_46 = arith.constant 0 : i32
      %dma_start3A_47 = tpu.memref_slice %arg2[%dma_start3A_45, %dma_start3A_46] : memref<10000x128xf32, #tpu.memory_space<hbm>> -> memref<10000x128xf32, #tpu.memory_space<hbm>>
      tpu.enqueue_indirect_dma source(%dma_start3A_47 : memref<10000x128xf32, #tpu.memory_space<hbm>>) target(%arg11 : memref<128x128xf32, #tpu.memory_space<vmem>>) offsets(%dma_start3A_44 : memref<128xi32, #tpu.memory_space<vmem>>) semaphore(%arg14 : memref<!tpu.dma_semaphore, #tpu.memory_space<semaphore_mem>>)
      %dma_wait3A = arith.constant 0 : i32
      %dma_wait3A_48 = tpu.memref_slice %arg8[%mul3A_39, %dma_wait3A] : memref<40x128xi32, #tpu.memory_space<vmem>> -> memref<1x128xi32, #tpu.memory_space<vmem>>
      %dma_wait3A_49 = tpu.memref_squeeze %dma_wait3A_48 : memref<1x128xi32, #tpu.memory_space<vmem>> -> memref<128xi32, #tpu.memory_space<vmem>>
      %dma_wait3A_50 = arith.constant 0 : i32
      %dma_wait3A_51 = arith.constant 0 : i32
      %dma_wait3A_52 = tpu.memref_slice %arg2[%dma_wait3A_50, %dma_wait3A_51] : memref<10000x128xf32, #tpu.memory_space<hbm>> -> memref<10000x128xf32, #tpu.memory_space<hbm>>
      tpu.wait_indirect_dma semaphore(%arg13 : memref<!tpu.dma_semaphore, #tpu.memory_space<semaphore_mem>>) src(%dma_wait3A_52 : memref<10000x128xf32, #tpu.memory_space<hbm>>) dst(%arg10 : memref<128x128xf32, #tpu.memory_space<vmem>>)
      %lt3A = arith.constant 19 : i32
      %lt3A_53 = arith.cmpi slt, %scan3A_37, %lt3A : i32
      %convert_element_type3A_54 = arith.extui %lt3A_53 : i1 to i32
      %cond3A_55 = arith.constant 0 : i32
      %cond3A_56 = arith.cmpi ne, %convert_element_type3A_54, %cond3A_55 : i32
      scf.if %cond3A_56 {
        %add3A_63 = arith.constant 2 : i32
        %add3A_64 = arith.addi %mul3A_39, %add3A_63 : i32
        %dma_start3A_65 = arith.constant 0 : i32
        %dma_start3A_66 = tpu.memref_slice %arg8[%add3A_64, %dma_start3A_65] : memref<40x128xi32, #tpu.memory_space<vmem>> -> memref<1x128xi32, #tpu.memory_space<vmem>>
        %dma_start3A_67 = tpu.memref_squeeze %dma_start3A_66 : memref<1x128xi32, #tpu.memory_space<vmem>> -> memref<128xi32, #tpu.memory_space<vmem>>
        %dma_start3A_68 = arith.constant 0 : i32
        %dma_start3A_69 = arith.constant 0 : i32
        %dma_start3A_70 = tpu.memref_slice %arg2[%dma_start3A_68, %dma_start3A_69] : memref<10000x128xf32, #tpu.memory_space<hbm>> -> memref<10000x128xf32, #tpu.memory_space<hbm>>
        tpu.enqueue_indirect_dma source(%dma_start3A_70 : memref<10000x128xf32, #tpu.memory_space<hbm>>) target(%arg10 : memref<128x128xf32, #tpu.memory_space<vmem>>) offsets(%dma_start3A_67 : memref<128xi32, #tpu.memory_space<vmem>>) semaphore(%arg13 : memref<!tpu.dma_semaphore, #tpu.memory_space<semaphore_mem>>)
      } else {
      }
      %dma_wait3A_57 = arith.constant 0 : i32
      %dma_wait3A_58 = tpu.memref_slice %arg8[%add3A_41, %dma_wait3A_57] : memref<40x128xi32, #tpu.memory_space<vmem>> -> memref<1x128xi32, #tpu.memory_space<vmem>>
      %dma_wait3A_59 = tpu.memref_squeeze %dma_wait3A_58 : memref<1x128xi32, #tpu.memory_space<vmem>> -> memref<128xi32, #tpu.memory_space<vmem>>
      %dma_wait3A_60 = arith.constant 0 : i32
      %dma_wait3A_61 = arith.constant 0 : i32
      %dma_wait3A_62 = tpu.memref_slice %arg2[%dma_wait3A_60, %dma_wait3A_61] : memref<10000x128xf32, #tpu.memory_space<hbm>> -> memref<10000x128xf32, #tpu.memory_space<hbm>>
      tpu.wait_indirect_dma semaphore(%arg14 : memref<!tpu.dma_semaphore, #tpu.memory_space<semaphore_mem>>) src(%dma_wait3A_62 : memref<10000x128xf32, #tpu.memory_space<hbm>>) dst(%arg11 : memref<128x128xf32, #tpu.memory_space<vmem>>)
    }
    %scan3A_13 = arith.constant 20 : i32
    "tpu.region"() ({
      %run_scoped3A = tpu.sem_alloc : memref<!tpu.dma_semaphore, #tpu.memory_space<semaphore_mem>>
      %dma_start3A_37 = arith.constant 40 : i32
      %dma_start3A_38 = arith.constant 0 : i32
      %dma_start3A_39 = tpu.memref_slice %arg3[%add3A, %dma_start3A_37, %dma_start3A_38] : memref<32x80x128xi32, #tpu.memory_space<hbm>> -> memref<1x40x128xi32, #tpu.memory_space<hbm>>
      %dma_start3A_40 = tpu.memref_squeeze %dma_start3A_39 : memref<1x40x128xi32, #tpu.memory_space<hbm>> -> memref<40x128xi32, #tpu.memory_space<hbm>>
      %dma_start3A_41 = arith.constant 40 : i32
      %dma_start3A_42 = arith.constant 0 : i32
      %dma_start3A_43 = tpu.memref_slice %arg3[%add3A, %dma_start3A_41, %dma_start3A_42] : memref<32x80x128xi32, #tpu.memory_space<hbm>> -> memref<1x40x128xi32, #tpu.memory_space<hbm>>
      %dma_start3A_44 = tpu.memref_squeeze %dma_start3A_43 : memref<1x40x128xi32, #tpu.memory_space<hbm>> -> memref<40x128xi32, #tpu.memory_space<hbm>>
      tpu.enqueue_dma source(%dma_start3A_44 : memref<40x128xi32, #tpu.memory_space<hbm>>) target(%arg8 : memref<40x128xi32, #tpu.memory_space<vmem>>) target_semaphore(%run_scoped3A : memref<!tpu.dma_semaphore, #tpu.memory_space<semaphore_mem>>)
      %dma_wait3A = arith.constant 40 : i32
      %dma_wait3A_45 = arith.constant 0 : i32
      %dma_wait3A_46 = tpu.memref_slice %arg3[%add3A, %dma_wait3A, %dma_wait3A_45] : memref<32x80x128xi32, #tpu.memory_space<hbm>> -> memref<1x40x128xi32, #tpu.memory_space<hbm>>
      %dma_wait3A_47 = tpu.memref_squeeze %dma_wait3A_46 : memref<1x40x128xi32, #tpu.memory_space<hbm>> -> memref<40x128xi32, #tpu.memory_space<hbm>>
      %dma_wait3A_48 = arith.constant 40 : i32
      %dma_wait3A_49 = arith.constant 0 : i32
      %dma_wait3A_50 = tpu.memref_slice %arg3[%add3A, %dma_wait3A_48, %dma_wait3A_49] : memref<32x80x128xi32, #tpu.memory_space<hbm>> -> memref<1x40x128xi32, #tpu.memory_space<hbm>>
      %dma_wait3A_51 = tpu.memref_squeeze %dma_wait3A_50 : memref<1x40x128xi32, #tpu.memory_space<hbm>> -> memref<40x128xi32, #tpu.memory_space<hbm>>
      tpu.wait_dma2 semaphore(%run_scoped3A : memref<!tpu.dma_semaphore, #tpu.memory_space<semaphore_mem>>) src(%dma_wait3A_51 : memref<40x128xi32, #tpu.memory_space<hbm>>) dst(%arg8 : memref<40x128xi32, #tpu.memory_space<vmem>>)
      tpu.yield
    }) : () -> ()
    "tpu.region"() ({
      %run_scoped3A = tpu.sem_alloc : memref<!tpu.dma_semaphore, #tpu.memory_space<semaphore_mem>>
      %dma_start3A_37 = arith.constant 40 : i32
      %dma_start3A_38 = arith.constant 0 : i32
      %dma_start3A_39 = tpu.memref_slice %arg4[%add3A, %dma_start3A_37, %dma_start3A_38] : memref<32x80x128xi32, #tpu.memory_space<hbm>> -> memref<1x40x128xi32, #tpu.memory_space<hbm>>
      %dma_start3A_40 = tpu.memref_squeeze %dma_start3A_39 : memref<1x40x128xi32, #tpu.memory_space<hbm>> -> memref<40x128xi32, #tpu.memory_space<hbm>>
      %dma_start3A_41 = arith.constant 40 : i32
      %dma_start3A_42 = arith.constant 0 : i32
      %dma_start3A_43 = tpu.memref_slice %arg4[%add3A, %dma_start3A_41, %dma_start3A_42] : memref<32x80x128xi32, #tpu.memory_space<hbm>> -> memref<1x40x128xi32, #tpu.memory_space<hbm>>
      %dma_start3A_44 = tpu.memref_squeeze %dma_start3A_43 : memref<1x40x128xi32, #tpu.memory_space<hbm>> -> memref<40x128xi32, #tpu.memory_space<hbm>>
      tpu.enqueue_dma source(%dma_start3A_44 : memref<40x128xi32, #tpu.memory_space<hbm>>) target(%arg9 : memref<40x128xi32, #tpu.memory_space<vmem>>) target_semaphore(%run_scoped3A : memref<!tpu.dma_semaphore, #tpu.memory_space<semaphore_mem>>)
      %dma_wait3A = arith.constant 40 : i32
      %dma_wait3A_45 = arith.constant 0 : i32
      %dma_wait3A_46 = tpu.memref_slice %arg4[%add3A, %dma_wait3A, %dma_wait3A_45] : memref<32x80x128xi32, #tpu.memory_space<hbm>> -> memref<1x40x128xi32, #tpu.memory_space<hbm>>
      %dma_wait3A_47 = tpu.memref_squeeze %dma_wait3A_46 : memref<1x40x128xi32, #tpu.memory_space<hbm>> -> memref<40x128xi32, #tpu.memory_space<hbm>>
      %dma_wait3A_48 = arith.constant 40 : i32
      %dma_wait3A_49 = arith.constant 0 : i32
      %dma_wait3A_50 = tpu.memref_slice %arg4[%add3A, %dma_wait3A_48, %dma_wait3A_49] : memref<32x80x128xi32, #tpu.memory_space<hbm>> -> memref<1x40x128xi32, #tpu.memory_space<hbm>>
      %dma_wait3A_51 = tpu.memref_squeeze %dma_wait3A_50 : memref<1x40x128xi32, #tpu.memory_space<hbm>> -> memref<40x128xi32, #tpu.memory_space<hbm>>
      tpu.wait_dma2 semaphore(%run_scoped3A : memref<!tpu.dma_semaphore, #tpu.memory_space<semaphore_mem>>) src(%dma_wait3A_51 : memref<40x128xi32, #tpu.memory_space<hbm>>) dst(%arg9 : memref<40x128xi32, #tpu.memory_space<vmem>>)
      tpu.yield
    }) : () -> ()
    %dma_start3A_14 = arith.constant 0 : i32
    %dma_start3A_15 = arith.constant 0 : i32
    %dma_start3A_16 = tpu.memref_slice %arg8[%dma_start3A_14, %dma_start3A_15] : memref<40x128xi32, #tpu.memory_space<vmem>> -> memref<1x128xi32, #tpu.memory_space<vmem>>
    %dma_start3A_17 = tpu.memref_squeeze %dma_start3A_16 : memref<1x128xi32, #tpu.memory_space<vmem>> -> memref<128xi32, #tpu.memory_space<vmem>>
    %dma_start3A_18 = arith.constant 0 : i32
    %dma_start3A_19 = arith.constant 0 : i32
    %dma_start3A_20 = tpu.memref_slice %arg2[%dma_start3A_18, %dma_start3A_19] : memref<10000x128xf32, #tpu.memory_space<hbm>> -> memref<10000x128xf32, #tpu.memory_space<hbm>>
    tpu.enqueue_indirect_dma source(%dma_start3A_20 : memref<10000x128xf32, #tpu.memory_space<hbm>>) target(%arg10 : memref<128x128xf32, #tpu.memory_space<vmem>>) offsets(%dma_start3A_17 : memref<128xi32, #tpu.memory_space<vmem>>) semaphore(%arg13 : memref<!tpu.dma_semaphore, #tpu.memory_space<semaphore_mem>>)
    %scan3A_21 = arith.constant 0 : i32
    %scan3A_22 = arith.constant 0 : i32
    %scan3A_23 = arith.constant 20 : i32
    %scan3A_24 = arith.addi %scan3A_22, %scan3A_23 : i32
    %scan3A_25 = arith.constant 1 : i32
    scf.for %scan3A_37 = %scan3A_22 to %scan3A_24 step %scan3A_25  : i32 {
      %mul3A_38 = arith.constant 2 : i32
      %mul3A_39 = arith.muli %mul3A_38, %scan3A_37 : i32
      %add3A_40 = arith.constant 1 : i32
      %add3A_41 = arith.addi %mul3A_39, %add3A_40 : i32
      %dma_start3A_42 = arith.constant 0 : i32
      %dma_start3A_43 = tpu.memref_slice %arg8[%add3A_41, %dma_start3A_42] : memref<40x128xi32, #tpu.memory_space<vmem>> -> memref<1x128xi32, #tpu.memory_space<vmem>>
      %dma_start3A_44 = tpu.memref_squeeze %dma_start3A_43 : memref<1x128xi32, #tpu.memory_space<vmem>> -> memref<128xi32, #tpu.memory_space<vmem>>
      %dma_start3A_45 = arith.constant 0 : i32
      %dma_start3A_46 = arith.constant 0 : i32
      %dma_start3A_47 = tpu.memref_slice %arg2[%dma_start3A_45, %dma_start3A_46] : memref<10000x128xf32, #tpu.memory_space<hbm>> -> memref<10000x128xf32, #tpu.memory_space<hbm>>
      tpu.enqueue_indirect_dma source(%dma_start3A_47 : memref<10000x128xf32, #tpu.memory_space<hbm>>) target(%arg11 : memref<128x128xf32, #tpu.memory_space<vmem>>) offsets(%dma_start3A_44 : memref<128xi32, #tpu.memory_space<vmem>>) semaphore(%arg14 : memref<!tpu.dma_semaphore, #tpu.memory_space<semaphore_mem>>)
      %dma_wait3A = arith.constant 0 : i32
      %dma_wait3A_48 = tpu.memref_slice %arg8[%mul3A_39, %dma_wait3A] : memref<40x128xi32, #tpu.memory_space<vmem>> -> memref<1x128xi32, #tpu.memory_space<vmem>>
      %dma_wait3A_49 = tpu.memref_squeeze %dma_wait3A_48 : memref<1x128xi32, #tpu.memory_space<vmem>> -> memref<128xi32, #tpu.memory_space<vmem>>
      %dma_wait3A_50 = arith.constant 0 : i32
      %dma_wait3A_51 = arith.constant 0 : i32
      %dma_wait3A_52 = tpu.memref_slice %arg2[%dma_wait3A_50, %dma_wait3A_51] : memref<10000x128xf32, #tpu.memory_space<hbm>> -> memref<10000x128xf32, #tpu.memory_space<hbm>>
      tpu.wait_indirect_dma semaphore(%arg13 : memref<!tpu.dma_semaphore, #tpu.memory_space<semaphore_mem>>) src(%dma_wait3A_52 : memref<10000x128xf32, #tpu.memory_space<hbm>>) dst(%arg10 : memref<128x128xf32, #tpu.memory_space<vmem>>)
      %lt3A = arith.constant 19 : i32
      %lt3A_53 = arith.cmpi slt, %scan3A_37, %lt3A : i32
      %convert_element_type3A_54 = arith.extui %lt3A_53 : i1 to i32
      %cond3A_55 = arith.constant 0 : i32
      %cond3A_56 = arith.cmpi ne, %convert_element_type3A_54, %cond3A_55 : i32
      scf.if %cond3A_56 {
        %add3A_63 = arith.constant 2 : i32
        %add3A_64 = arith.addi %mul3A_39, %add3A_63 : i32
        %dma_start3A_65 = arith.constant 0 : i32
        %dma_start3A_66 = tpu.memref_slice %arg8[%add3A_64, %dma_start3A_65] : memref<40x128xi32, #tpu.memory_space<vmem>> -> memref<1x128xi32, #tpu.memory_space<vmem>>
        %dma_start3A_67 = tpu.memref_squeeze %dma_start3A_66 : memref<1x128xi32, #tpu.memory_space<vmem>> -> memref<128xi32, #tpu.memory_space<vmem>>
        %dma_start3A_68 = arith.constant 0 : i32
        %dma_start3A_69 = arith.constant 0 : i32
        %dma_start3A_70 = tpu.memref_slice %arg2[%dma_start3A_68, %dma_start3A_69] : memref<10000x128xf32, #tpu.memory_space<hbm>> -> memref<10000x128xf32, #tpu.memory_space<hbm>>
        tpu.enqueue_indirect_dma source(%dma_start3A_70 : memref<10000x128xf32, #tpu.memory_space<hbm>>) target(%arg10 : memref<128x128xf32, #tpu.memory_space<vmem>>) offsets(%dma_start3A_67 : memref<128xi32, #tpu.memory_space<vmem>>) semaphore(%arg13 : memref<!tpu.dma_semaphore, #tpu.memory_space<semaphore_mem>>)
      } else {
      }
      %dma_wait3A_57 = arith.constant 0 : i32
      %dma_wait3A_58 = tpu.memref_slice %arg8[%add3A_41, %dma_wait3A_57] : memref<40x128xi32, #tpu.memory_space<vmem>> -> memref<1x128xi32, #tpu.memory_space<vmem>>
      %dma_wait3A_59 = tpu.memref_squeeze %dma_wait3A_58 : memref<1x128xi32, #tpu.memory_space<vmem>> -> memref<128xi32, #tpu.memory_space<vmem>>
      %dma_wait3A_60 = arith.constant 0 : i32
      %dma_wait3A_61 = arith.constant 0 : i32
      %dma_wait3A_62 = tpu.memref_slice %arg2[%dma_wait3A_60, %dma_wait3A_61] : memref<10000x128xf32, #tpu.memory_space<hbm>> -> memref<10000x128xf32, #tpu.memory_space<hbm>>
      tpu.wait_indirect_dma semaphore(%arg14 : memref<!tpu.dma_semaphore, #tpu.memory_space<semaphore_mem>>) src(%dma_wait3A_62 : memref<10000x128xf32, #tpu.memory_space<hbm>>) dst(%arg11 : memref<128x128xf32, #tpu.memory_space<vmem>>)
    }
    %scan3A_26 = arith.constant 20 : i32
    %barrier3A_27 = arith.constant 0 : index
    tpu.barrier barrier_id(%barrier3A_27)
    %mul3A_28 = arith.constant 632 : i32
    %mul3A_29 = arith.muli %arg1, %mul3A_28 : i32
    %multiple_of3A = tpu.assume_multiple %mul3A_29, 8 : i32
    %eq3A = arith.constant 0 : i32
    %eq3A_30 = arith.cmpi eq, %arg0, %eq3A : i32
    %convert_element_type3A = arith.extui %eq3A_30 : i1 to i32
    %cond3A = arith.constant 0 : i32
    %cond3A_31 = arith.cmpi ne, %convert_element_type3A, %cond3A : i32
    scf.if %cond3A_31 {
      "tpu.region"() ({
        %run_scoped3A = tpu.sem_alloc : memref<!tpu.dma_semaphore, #tpu.memory_space<semaphore_mem>>
        %dma_start3A_37 = arith.constant 0 : i32
        %dma_start3A_38 = tpu.memref_slice %arg6[%multiple_of3A, %dma_start3A_37] : memref<10112x128xf32, #tpu.memory_space<hbm>> -> memref<632x128xf32, #tpu.memory_space<hbm>>
        %dma_start3A_39 = arith.constant 0 : i32
        %dma_start3A_40 = tpu.memref_slice %arg12[%multiple_of3A, %dma_start3A_39] : memref<10112x128xf32, #tpu.memory_space<vmem_shared>> -> memref<632x128xf32, #tpu.memory_space<vmem_shared>>
        tpu.enqueue_dma source(%dma_start3A_40 : memref<632x128xf32, #tpu.memory_space<vmem_shared>>) target(%dma_start3A_38 : memref<632x128xf32, #tpu.memory_space<hbm>>) target_semaphore(%run_scoped3A : memref<!tpu.dma_semaphore, #tpu.memory_space<semaphore_mem>>)
        %dma_wait3A = arith.constant 0 : i32
        %dma_wait3A_41 = tpu.memref_slice %arg6[%multiple_of3A, %dma_wait3A] : memref<10112x128xf32, #tpu.memory_space<hbm>> -> memref<632x128xf32, #tpu.memory_space<hbm>>
        %dma_wait3A_42 = arith.constant 0 : i32
        %dma_wait3A_43 = tpu.memref_slice %arg12[%multiple_of3A, %dma_wait3A_42] : memref<10112x128xf32, #tpu.memory_space<vmem_shared>> -> memref<632x128xf32, #tpu.memory_space<vmem_shared>>
        tpu.wait_dma2 semaphore(%run_scoped3A : memref<!tpu.dma_semaphore, #tpu.memory_space<semaphore_mem>>) src(%dma_wait3A_43 : memref<632x128xf32, #tpu.memory_space<vmem_shared>>) dst(%dma_wait3A_41 : memref<632x128xf32, #tpu.memory_space<hbm>>)
        tpu.yield
      }) : () -> ()
    } else {
    }
    %eq3A_32 = arith.constant 1 : i32
    %eq3A_33 = arith.cmpi eq, %arg0, %eq3A_32 : i32
    %convert_element_type3A_34 = arith.extui %eq3A_33 : i1 to i32
    %cond3A_35 = arith.constant 0 : i32
    %cond3A_36 = arith.cmpi ne, %convert_element_type3A_34, %cond3A_35 : i32
    scf.if %cond3A_36 {
      "tpu.region"() ({
        %run_scoped3A = tpu.sem_alloc : memref<!tpu.dma_semaphore, #tpu.memory_space<semaphore_mem>>
        %dma_start3A_37 = arith.constant 0 : i32
        %dma_start3A_38 = tpu.memref_slice %arg7[%multiple_of3A, %dma_start3A_37] : memref<10112x128xf32, #tpu.memory_space<hbm>> -> memref<632x128xf32, #tpu.memory_space<hbm>>
        %dma_start3A_39 = arith.constant 0 : i32
        %dma_start3A_40 = tpu.memref_slice %arg12[%multiple_of3A, %dma_start3A_39] : memref<10112x128xf32, #tpu.memory_space<vmem_shared>> -> memref<632x128xf32, #tpu.memory_space<vmem_shared>>
        tpu.enqueue_dma source(%dma_start3A_40 : memref<632x128xf32, #tpu.memory_space<vmem_shared>>) target(%dma_start3A_38 : memref<632x128xf32, #tpu.memory_space<hbm>>) target_semaphore(%run_scoped3A : memref<!tpu.dma_semaphore, #tpu.memory_space<semaphore_mem>>)
        %dma_wait3A = arith.constant 0 : i32
        %dma_wait3A_41 = tpu.memref_slice %arg7[%multiple_of3A, %dma_wait3A] : memref<10112x128xf32, #tpu.memory_space<hbm>> -> memref<632x128xf32, #tpu.memory_space<hbm>>
        %dma_wait3A_42 = arith.constant 0 : i32
        %dma_wait3A_43 = tpu.memref_slice %arg12[%multiple_of3A, %dma_wait3A_42] : memref<10112x128xf32, #tpu.memory_space<vmem_shared>> -> memref<632x128xf32, #tpu.memory_space<vmem_shared>>
        tpu.wait_dma2 semaphore(%run_scoped3A : memref<!tpu.dma_semaphore, #tpu.memory_space<semaphore_mem>>) src(%dma_wait3A_43 : memref<632x128xf32, #tpu.memory_space<vmem_shared>>) dst(%dma_wait3A_41 : memref<632x128xf32, #tpu.memory_space<hbm>>)
        tpu.yield
      }) : () -> ()
    } else {
    }
    return
  }
}

</mosaic_0001>

<sc_bundles>
// kernel: kernel.4.cloned.1.call-start
scs
__scs_entry_jumppad:
0x0: {  	(pc) =	sbr.rel $0x88, $3  }
0x1: {  	(tag) =	ssettag $0x0;
	lr =	simm.s32 $0x1  }
0x2: {  	[smem:$0x3F9B] =	sst lr;
	_ =	strace $0xD0000000  }
0x3: {  	_ = 	snop  }
0x4: {  	_ = 	snop  }
0x5: {  	_ = 	snop  }
0x6: {  	_ = 	snop  }
0x7: {  	_ = 	snop  }
__scs_overlays_trampoline_lowered:
0x8: {  	[smem:$0x3FAA] =	sst s0  }
0x9: {  	[smem:$0x3FAB] =	sst s1  }
0xa: {  	[smem:$0x3FAC] =	sst s2  }
0xb: {  	[smem:$0x3FAD] =	sst s3  }
0xc: {  	[smem:$0x3FAE] =	sst s4  }
0xd: {  	[smem:$0x3FAF] =	sst s5  }
0xe: {  	[smem:$0x3FB0] =	sst s6  }
0xf: {  	[smem:$0x3FB1] =	sst s7  }
0x10: {  	[smem:$0x3FB2] =	sst s8  }
0x11: {  	[smem:$0x3FB3] =	sst s9;
	s0 =	simm.s32 @!p0 $0x0  }
0x12: {  	s1 =	sld [smem:$0x3F99];
	s0 =	simm.s32 @p0 $0x1  }
0x13: {  	[smem:$0x3FB4] =	sst s0;
	s0 =	simm.s32 @!p1 $0x0  }
0x14: {  	s2 =	sld [smem:$0x3F98];
	s0 =	simm.s32 @p1 $0x1  }
0x15: {  	[smem:$0x3FB5] =	sst s0;
	s0 =	simm.s32 @!p2 $0x0  }
0x16: {  	s3 =	sld [smem:$0x3FDB];
	s0 =	simm.s32 @p2 $0x1  }
0x17: {  	s4 =	simm.s32 $0x1BF5;
	[smem:$0x3FB7] =	sst s0  }
0x18: {  	s0 =	sld [smem:$0x3F9A];
	_ =	swait.ge [sflag:s4], $0x0  }
0x19: {  	s7 =	sld [smem:$0x3F9B]  }
0x1a: {  	s8 =	sadd.s32 $0xFFFFE003, lr  }
0x1b: {  	s9 =	sadd.s32 $0xFFFFFEF7, lr;
	s5 =	simm.s32 $0xFFFFFFFF;
	p2 =	slt.u32 s8, $0xFFFFF086  }
0x1c: {  	p1 =	slt.u32 s9, $0xF7A;
	s5 =	simm.s32 @!p2 $0x0  }
0x1d: {  	s5 =	simm.s32 @p1 $0x1;
	p0 =	seq.s32 s7, s2  }
0x1e: {  	s7 =	smul.u32 @!p0 $0xF7A, s2;
	p2 =	seq.s32 @!p0 s5, $0x0  }
0x1f: {  	s9 =	smul.u32 $0xF7A, s1;
	s8 =	simm.s32 @!p0 $0x1BF5;
	p2 =	por !p2, p0  }
0x20: {  	[sflag:s8] =	ssyncset.s32 @!p0 $0xFFFFF086;
	s6 =	sadd.s32 @!p0 s3, s7;
	s7 =	simm.s32 @!p0 $0x108  }
0x21: {  	s3 =	sadd.s32 s3, s9;
	s6 =	sadd.s32 @!p0 $0x88, s6;
	s7 =	simm.s32 @p2 $0x1082  }
0x22: {  	[simem:s7], [sflag:s8] =	dma.local @!p0 [hbm:s6], $0xF7A  }
0x23: {  	s9 =	sor.u32 $0xD0000000, s2;
	s6 =	simm.s32 $0x108;
	_ =	swait.ge @!p0 [sflag:s8], $0x0  }
0x24: {  	s3 =	sadd.s32 $0x88, s3;
	s6 =	simm.s32 @!p1 $0x1082;
	[sflag:s4] =	ssyncset.s32 $0xFFFFF086  }
0x25: {  	[simem:s6], [sflag:s4] =	dma.local [hbm:s3], $0xF7A  }
0x26: {  	[smem:$0x3F9B] =	sst s1;
	(tag) =	ssettag s2;
	_ =	strace s9  }
0x27: {  	s1 =	sld [smem:$0x3FAB]  }
0x28: {  	s2 =	sld [smem:$0x3FAC]  }
0x29: {  	s4 =	sld [smem:$0x3FAE]  }
0x2a: {  	p0 =	seq.s32 s5, $0x0;
	s5 =	sld [smem:$0x3FAF]  }
0x2b: {  	s6 =	sld [smem:$0x3FB0]  }
0x2c: {  	s7 =	sld [smem:$0x3FB1]  }
0x2d: {  	s3 =	simm.s32 $0x108;
	s8 =	sld [smem:$0x3FB2]  }
0x2e: {  	s3 =	simm.s32 @!p0 $0x1082;
	s9 =	sld [smem:$0x3FB3]  }
0x2f: {  	lr =	sadd.s32 s0, s3;
	s0 =	sld [smem:$0x3FAA]  }
0x30: {  	s3 =	sld [smem:$0x3FAD]  }
0x31: {  	[smem:$0x3FB6] =	sst s10  }
0x32: {  	s10 =	sld [smem:$0x3FB4];
	_ =	sdelay $0x3  }
0x33: {  	p0 =	seq.s32 s10, $0x1;
	s10 =	sld [smem:$0x3FB6];
	_ =	sdelay $0x3  }
0x34: {  	[smem:$0x3FB6] =	sst s10  }
0x35: {  	s10 =	sld [smem:$0x3FB5];
	_ =	sdelay $0x3  }
0x36: {  	p1 =	seq.s32 s10, $0x1;
	s10 =	sld [smem:$0x3FB6];
	_ =	sdelay $0x3  }
0x37: {  	[smem:$0x3FB6] =	sst s10  }
0x38: {  	s10 =	sld [smem:$0x3FB7]  }
0x39: {  	_ = 	snop;
	(pc) =	sbr.ind lr, $3  }
0x3a: {  	_ = 	snop  }
0x3b: {  	_ = 	snop  }
0x3c: {  	p2 =	seq.s32 s10, $0x1;
	s10 =	sld [smem:$0x3FB6]  }
0x3d: {  	_ =	shalt  }
0x3e: {  	_ =	shalt  }
0x3f: {  	_ =	shalt  }
0x40: {  	_ =	shalt  }
0x41: {  	_ =	shalt  }
0x42: {  	_ =	shalt  }
0x43: {  	_ =	shalt  }
0x44: {  	_ =	shalt  }
0x45: {  	_ =	shalt  }
0x46: {  	_ =	shalt  }
0x47: {  	_ =	shalt  }
0x48: {  	_ =	shalt  }
0x49: {  	_ =	shalt  }
0x4a: {  	_ =	shalt  }
0x4b: {  	_ =	shalt  }
0x4c: {  	_ =	shalt  }
0x4d: {  	_ =	shalt  }
0x4e: {  	_ =	shalt  }
0x4f: {  	_ =	shalt  }
0x50: {  	_ =	shalt  }
0x51: {  	_ =	shalt  }
0x52: {  	_ =	shalt  }
0x53: {  	_ =	shalt  }
0x54: {  	_ =	shalt  }
0x55: {  	_ =	shalt  }
0x56: {  	_ =	shalt  }
0x57: {  	_ =	shalt  }
0x58: {  	_ =	shalt  }
0x59: {  	_ =	shalt  }
0x5a: {  	_ =	shalt  }
0x5b: {  	_ =	shalt  }
0x5c: {  	_ =	shalt  }
0x5d: {  	_ =	shalt  }
0x5e: {  	_ =	shalt  }
0x5f: {  	_ =	shalt  }
0x60: {  	_ =	shalt  }
0x61: {  	_ =	shalt  }
0x62: {  	_ =	shalt  }
0x63: {  	_ =	shalt  }
0x64: {  	_ =	shalt  }
0x65: {  	_ =	shalt  }
0x66: {  	_ =	shalt  }
0x67: {  	_ =	shalt  }
0x68: {  	_ =	shalt  }
0x69: {  	_ =	shalt  }
0x6a: {  	_ =	shalt  }
0x6b: {  	_ =	shalt  }
0x6c: {  	_ =	shalt  }
0x6d: {  	_ =	shalt  }
0x6e: {  	_ =	shalt  }
0x6f: {  	_ =	shalt  }
0x70: {  	_ =	shalt  }
0x71: {  	_ =	shalt  }
0x72: {  	_ =	shalt  }
0x73: {  	_ =	shalt  }
0x74: {  	_ =	shalt  }
0x75: {  	_ =	shalt  }
0x76: {  	_ =	shalt  }
0x77: {  	_ =	shalt  }
0x78: {  	_ =	shalt  }
0x79: {  	_ =	shalt  }
0x7a: {  	_ =	shalt  }
0x7b: {  	_ =	shalt  }
0x7c: {  	_ =	shalt  }
0x7d: {  	_ =	shalt  }
0x7e: {  	_ =	shalt  }
0x7f: {  	_ =	shalt  }
0x80: {  	_ =	shalt  }
0x81: {  	_ =	shalt  }
0x82: {  	_ =	shalt  }
0x83: {  	_ =	shalt  }
0x84: {  	_ =	shalt  }
0x85: {  	_ =	shalt  }
0x86: {  	_ =	shalt  }
0x87: {  	_ =	shalt  }
.Lfunc_end0:
.L_simem_size_0:
called_computation_lowered:
.L_overlay_start_0:
0x88: {  	s2 =	sld [smem:$0x3FD9]  }
0x89: {  	s3 =	sld [smem:$0x3FFE];
	_ =	sdelay $0x1  }
0x8a: {  	s1 =	srdreg.scid  }
0x8b: {  	s0 =	sand.u32 $0x1, s1  }
0x8c: {  	s17 =	sshll.u32 s0, $0xA;
	s2 =	sadd.s32 s3, s2  }
0x8d: {  	s2 =	sadd.s32 s2, s17  }
0x8e: {  	[smem:$0x3FC2] =	sst s2  }
0x8f: {  	_ = 	snop  }
0x90: {  	s4 =	sld [smem:$0x3FC9]  }
0x91: {  	s18 =	sld [smem:$0x3FD0];
	(tm) =	ssettm $0x1  }
0x92: {  	s19 =	sld [smem:$0x3FFB];
	_ =	sdelay $0x3  }
0x93: {  	_ =	strace s19  }
0x94: {  	s2 =	sld [smem:$0x3FFC];
	_ =	sdelay $0x3  }
0x95: {  	_ =	strace s2  }
0x96: {  	s2 =	sld [smem:$0x3FFD];
	_ =	sdelay $0x3  }
0x97: {  	_ =	strace s2  }
0x98: {  	_ =	strace $0x8FFFFFFF  }
0x99: {  	s20 =	sld [smem:$0x3FDB];
	_ =	sdelay $0x1  }
0x9a: {  	s5 =	simm.s32 $_scs_section_size  }
0x9b: {  	s6 =	simm.s32 $_size__tile_overlayer_lowered;
	s7 =	simm.s32 $_tile_overlayer_lowered  }
0x9c: {  	s8 =	simm.s32 $0x1BFF;
	s21 =	sshll.u32 s7, $0x1;
	s5 =	sadd.s32 s5, s20  }
0x9d: {  	s22 =	simm.s32 $0x0;
	s6 =	sshll.u32 s6, $0x1;
	s7 =	sadd.s32 s21, s5  }
0x9e: {  	[timem:s22], [sflag:s8] =	dma.local [hbm:s7], s6  }
0x9f: {  	_ =	swait.ge [sflag:s8], s6  }
0xa0: {  	s6 =	ssub.s32 $0x0, s6;
	[sflag:s8] =	ssyncset.done $0x0  }
0xa1: {  	[sflag:s8] =	ssyncadd.s32 s6;
	_ =	sdelay $0x1  }
0xa2: {  	s23 =	simm.s32 $0x1B8B  }
0xa3: {  	_ =	swait.ge [sflag:s23], $0x1  }
0xa4: {  	[sflag:s23] =	ssyncset.done $0x0  }
0xa5: {  	[sflag:s23] =	ssyncadd.s32 $0xFFFFFFFF  }
0xa6: {  	s6 =	sld [smem:$0x0]  }
0xa7: {  	s7 =	sand.u32 $0xFFFFFFFE, s1  }
0xa8: {  	p0 =	sne.s32 s1, s7  }
0xa9: {  	s7 =	sshll.u32 @p0 s7, $0xE  }
0xaa: {  	s7 =	sadd.s32 @p0 $0x11B8D, s7;
	s8 =	sshll.u32 @p0 s6, $0x11  }
0xab: {  	s7 =	sor.u32 @p0 s8, s7  }
0xac: {  	[sflag:s7] =	ssyncadd.remote.s32 @p0 $0x1;
	_ =	sdelay $0x1  }
0xad: {  	s7 =	simm.s32 @p0 $0x1B8D  }
0xae: {  	_ =	swait.eq @p0 [sflag:s7], $0x1  }
0xaf: {  	[sflag:s7] =	ssyncadd.s32 @p0 $0xFFFFFFFF  }
0xb0: {  	s8 =	sshll.u32 @!p0 s1, $0xE  }
0xb1: {  	s8 =	sor.u32 @!p0 $0x4000, s8;
	s7 =	simm.s32 @!p0 $0x1B8D  }
0xb2: {  	s6 =	sshll.u32 @!p0 s6, $0x11;
	s8 =	sadd.s32 @!p0 $0x11B8D, s8;
	_ =	swait.eq @!p0 [sflag:s7], $0x1  }
0xb3: {  	s6 =	sor.u32 @!p0 s6, s8;
	[sflag:s7] =	ssyncadd.s32 @!p0 $0xFFFFFFFF  }
0xb4: {  	s25 =	simm.s32 $0x1B8E;
	s24 =	sld [smem:$0x3FFE];
	[sflag:s6] =	ssyncadd.remote.s32 @!p0 $0x1  }
0xb5: {  	s26 =	simm.s32 $execute0_lowered;
	[smem:$0x3FD2] =	sst s25  }
0xb6: {  	s7 =	sshll.u32 s26, $0x1;
	_ =	strace $0x80000049;
	[dreg:$0x1] =	wrdreg $0xFFFFFFFF  }
0xb7: {  	s28 =	simm.s32 $_size_execute0_lowered;
	s5 =	sadd.s32 s5, s7;
	[dreg:$0x0] =	wrdreg $0x0  }
0xb8: {  	s7 =	sshll.u32 s28, $0x1;
	[dreg:$0x2] =	wrdreg s5  }
0xb9: {  	[dreg:$0x3] =	wrdreg s7  }
0xba: {  	[dreg:$0x4] =	wrdreg $0xC0  }
0xbb: {  	_ =	task [dreg:s22], $0x5FFFF  }
0xbc: {  	[dreg:$0x1] =	wrdreg $0xFFFFFFFF  }
0xbd: {  	[dreg:$0x0] =	wrdreg $0x60  }
0xbe: {  	[dreg:$0x2] =	wrdreg s4  }
0xbf: {  	[dreg:$0x3] =	wrdreg s24  }
0xc0: {  	[dreg:$0x4] =	wrdreg s18  }
0xc1: {  	[dreg:$0x5] =	wrdreg $0xA8000  }
0xc2: {  	[dreg:$0x6] =	wrdreg $0x9  }
0xc3: {  	_ =	task.clear_ibuf [dreg:s22], $0x7FFFF;
	_ =	strace $0x90000049  }
0xc4: {  	s29 =	simm.s32 $0x9;
	_ =	strace $0x8000004B  }
0xc5: {  	_ =	swait.ge [sflag:s29], $0x1  }
0xc6: {  	[sflag:s29] =	ssyncadd.s32 $0xFFFFFFFF  }
0xc7: {  	_ =	strace $0x9000004B  }
0xc8: {  	_ =	sfence  }
0xc9: {  	s30 =	sld [smem:$0x0];
	_ =	sdelay $0x2  }
0xca: {  	s31 =	sshll.u32 s1, $0xD;
	s1 =	sshrl.u32 s1, $0x2  }
0xcb: {  	s4 =	sand.u32 $0x4000, s31;
	s1 =	sadd.s32 s1, s30  }
0xcc: {  	s0 =	sor.u32 s4, s0;
	s1 =	sshll.u32 s1, $0x11  }
0xcd: {  	s0 =	sor.u32 s1, s0  }
0xce: {  	s0 =	sadd.s32 $0x8F2B, s0  }
0xcf: {  	[sflag:s0] =	ssyncadd.remote.s32 $0x1  }
0xd0: {  	_ =	sfence.sel $0xFFFF  }
0xd1: {  	[dreg:$0x0] =	wrdreg $0xFFFFFFFF;
	(pc) =	sbr.abs _section_cstart, $3  }
0xd2: {  	[dreg:$0x1] =	wrdreg $0xFFFFFFFF  }
0xd3: {  	_ =	task.clear_ibuf [dreg:s22], $0x2FFFF;
	_ =	strace $0x9FFFFFFF  }
0xd4: {  	(tm) =	ssettm $0x7FFFFFFF  }
0xd5: {  	_ =	shalt  }
tec
execute0_lowered:
.L_overlay_start_1:
0x0: {  	(tag) =	ssettag $0x1  }
0x1: {  	s1 =	rddreg [dreg:$0x0]  }
0x2: {  	s10 =	rddreg [dreg:$0x1]  }
0x3: {  	s2 =	rddreg [dreg:$0x2]  }
0x4: {  	s5 =	rddreg [dreg:$0x3]  }
0x5: {  	s0 =	rddreg [dreg:$0x4]  }
0x6: {  	s4 =	simm.s32 $0x0;
	s6 =	srdreg.scid;
	s3 =	stileid.u32  }
0x7: {  	s16 =	simm.s32 $0x8BE00;
	s17 =	simm.s32 $0x80;
	s18 =	simm.s32 $0x1  }
0x8: {  	s19 =	simm.s32 $0x2;
	s20 =	simm.s32 $0x1380;
	s21 =	simm.s32 $0x0  }
0x9: {  	[smem:$0x7FF] =	sst s4;
	s8 =	sand.u32 $0x1, s6;
	s25 =	sshll.u32 s3, $0x1  }
0xa: {  	s9 =	smul.u32 $0x4F000, s3;
	s12 =	sadd.s32 $0x1600, s10;
	s13 =	sadd.s32 $0xB600, s10  }
0xb: {  	s28 =	sshll.u32 s3, $0x6;
	s30 =	smul.u32 $0x2780, s3;
	s7 =	ssub.s32 $0x2, s8  }
0xc: {  	s6 =	sor.u32 s8, s25;
	_ =	strace $0x8000004A;
	p0 =	seq.s32 s8, $0x1  }
0xd: {  	s11 =	sshrl.u32 s7, $0x1;
	s6 =	smul.u32 $0x2800, s6;
	s26 =	sshrl.u32 s9, $0x2  }
0xe: {  	s16 =	simm.s32 @!p0 $0x64600;
	s11 =	ssub.s32 s7, s11;
	s15 =	sadd.s32 s26, s5  }
0xf: {  	s5 =	sor.u32 $0x1C03, s28;
	s31 =	sadd.s32 s16, s10;
	s16 =	simm.s32 $0x1400  }
0x10: {  	s14 =	sshrl.u32 s6, $0x3;
	s10 =	smax.u32 s11, $0x1;
	s11 =	sadd.s32 s31, s30  }
0x11: {  	s6 =	sadd.s32 s12, s14;
	s7 =	sadd.s32 s13, s14;
	s29 =	sadd.s32 $0x280, s14  }
0x12: {  	s14 =	simm.s32 $0x2800;
	s8 =	sadd.s32 s12, s29;
	s9 =	sadd.s32 s13, s29  }
0x13: {  	s12 =	sshrl.u32 s15, $0x3;
	s13 =	simm.s32 $0x3;
	s15 =	simm.s32 $0x6800  }
.LBB2_1:
0x14: {  	[spmem:s12], [sflag:s5] =	dma.local [hbm:s2], $0x2780  }
0x15: {  	_ =	swait.ge [sflag:s13], $0x2780  }
0x16: {  	[sflag:s13] =	ssyncset.done $0x0  }
0x17: {  	[sflag:s13] =	ssyncadd.s32 $0xFFFFD880  }
0x18: {  	[tilespmem:s14], [sflag:$0x3] =	stream.linear.gather [hbm4b:s2+s4], $0x4000, $0x38;
	[tilespmem:$0x1E400] =	vst v63  }
0x19: {  	_ =	swait.ge [sflag:s13], $0x4000  }
0x1a: {  	[sflag:s13] =	ssyncset.done $0x0  }
0x1b: {  	[sflag:s13] =	ssyncadd.s32 $0xFFFFC000  }
0x1c: {  	[tilespmem:s15], [sflag:$0x3] =	stream.linear.gather [hbm4b:s2+s4], $0x4000, $0x38;
	[tilespmem:$0x1E400] =	vst v63  }
0x1d: {  	_ =	swait.ge [sflag:s13], $0x4000  }
0x1e: {  	[sflag:s13] =	ssyncset.done $0x0  }
0x1f: {  	[sflag:s13] =	ssyncadd.s32 $0xFFFFC000  }
0x20: {  	[bflag:$0x0] =	sbarrier.arrive $0xFFFF  }
0x21: {  	[tilespmem:s4], [sflag:$0x3] =	stream.linear.gather [hbm4b:s6+s4], $0x1400, $0x38;
	[tilespmem:$0x1E400] =	vst v63  }
0x22: {  	_ =	swait.ge [sflag:s13], $0x1400  }
0x23: {  	[sflag:s13] =	ssyncset.done $0x0  }
0x24: {  	[sflag:s13] =	ssyncadd.s32 $0xFFFFEC00  }
0x25: {  	[tilespmem:s16], [sflag:$0x3] =	stream.linear.gather [hbm4b:s7+s4], $0x1400, $0x38;
	[tilespmem:$0x1E400] =	vst v63  }
0x26: {  	_ =	swait.ge [sflag:s13], $0x1400  }
0x27: {  	[sflag:s13] =	ssyncset.done $0x0  }
0x28: {  	[sflag:s13] =	ssyncadd.s32 $0xFFFFEC00  }
0x29: {  	[tilespmem:s14], [sflag:$0x1] =	stream.indirect.gather [hbm4b:s1+s17], $0x80, s4, s17, $0xb8;
	[tilespmem:$0x1E400] =	vst v63  }
0x2a: {  	s22 =	simm.s32 $0x80  }
0x2b: {  	[tilespmem:s15], [sflag:$0x2] =	stream.indirect.gather [hbm4b:s1+s17], $0x80, s22, s17, $0xb8;
	[tilespmem:$0x1E400] =	vst v63  }
0x2c: {  	_ =	swait.ge [sflag:s18], $0x4000  }
0x2d: {  	[sflag:s18] =	ssyncset.done $0x0  }
0x2e: {  	s31 =	simm.s32 $0x100;
	[sflag:s18] =	ssyncadd.s32 $0xFFFFC000  }
0x2f: {  	[tilespmem:s14], [sflag:$0x1] =	stream.indirect.gather [hbm4b:s1+s17], $0x80, s31, s17, $0xb8;
	[tilespmem:$0x1E400] =	vst v63  }
0x30: {  	_ =	swait.ge [sflag:s19], $0x4000  }
0x31: {  	s23 =	simm.s32 $0xFFFFBC00;
	s22 =	simm.s32 $0xFFFFEE00;
	[sflag:s19] =	ssyncset.done $0x0  }
.LBB2_2:
0x32: {  	s24 =	sadd.s32 $0x1380, s22  }
0x33: {  	[sflag:s19] =	ssyncadd.s32 $0xFFFFC000;
	s25 =	smov.u32 s23;
	s26 =	sadd.s32 $0x400, s23  }
0x34: {  	[tilespmem:s15], [sflag:$0x2] =	stream.indirect.gather [hbm4b:s1+s17], $0x80, s24, s17, $0xb8;
	[tilespmem:$0x1E400] =	vst v63  }
0x35: {  	p0 =	sne.s32 s23, $0xFFFFFC00;
	_ =	swait.ge [sflag:s18], $0x4000  }
.Ltmp0:
0x36: {  	[sflag:s18] =	ssyncset.done $0x0;
	(pc) =	sbr.rel @p0 .LBB2_2-.Ltmp0, $4  }
0x37: {  	s22 =	sadd.s32 $0x1400, s22;
	[sflag:s18] =	ssyncadd.s32 $0xFFFFC000  }
0x38: {  	[tilespmem:s14], [sflag:$0x1] =	stream.indirect.gather [hbm4b:s1+s17], $0x80, s22, s17, $0xb8;
	[tilespmem:$0x1E400] =	vst v63  }
0x39: {  	_ =	swait.ge [sflag:s19], $0x4000  }
0x3a: {  	s23 =	smov.u32 s26;
	s22 =	sshra.s32 s25, $0x2;
	[sflag:s19] =	ssyncset.done $0x0  }
0x3b: {  	s23 =	sadd.s32 $0x1380, s22;
	[sflag:s19] =	ssyncadd.s32 $0xFFFFC000  }
0x3c: {  	[tilespmem:s15], [sflag:$0x2] =	stream.indirect.gather [hbm4b:s1+s17], $0x80, s23, s17, $0xb8;
	[tilespmem:$0x1E400] =	vst v63  }
0x3d: {  	_ =	swait.ge [sflag:s18], $0x4000  }
0x3e: {  	[sflag:s18] =	ssyncset.done $0x0  }
0x3f: {  	s29 =	sadd.s32 $0x1400, s22;
	[sflag:s18] =	ssyncadd.s32 $0xFFFFC000  }
0x40: {  	[tilespmem:s14], [sflag:$0x1] =	stream.indirect.gather [hbm4b:s1+s17], $0x80, s29, s17, $0xb8;
	[tilespmem:$0x1E400] =	vst v63  }
0x41: {  	_ =	swait.ge [sflag:s19], $0x4000  }
0x42: {  	[sflag:s19] =	ssyncset.done $0x0  }
0x43: {  	[sflag:s19] =	ssyncadd.s32 $0xFFFFC000  }
0x44: {  	[tilespmem:s15], [sflag:$0x2] =	stream.indirect.gather [hbm4b:s1+s17], $0x80, s20, s17, $0xb8;
	[tilespmem:$0x1E400] =	vst v63  }
0x45: {  	_ =	swait.ge [sflag:s18], $0x4000  }
0x46: {  	[sflag:s18] =	ssyncset.done $0x0  }
0x47: {  	[sflag:s18] =	ssyncadd.s32 $0xFFFFC000  }
0x48: {  	_ =	swait.ge [sflag:s19], $0x4000  }
0x49: {  	[sflag:s19] =	ssyncset.done $0x0  }
0x4a: {  	[sflag:s19] =	ssyncadd.s32 $0xFFFFC000  }
0x4b: {  	[tilespmem:s4], [sflag:$0x3] =	stream.linear.gather [hbm4b:s8+s4], $0x1400, $0x38;
	[tilespmem:$0x1E400] =	vst v63  }
0x4c: {  	_ =	swait.ge [sflag:s13], $0x1400  }
0x4d: {  	[sflag:s13] =	ssyncset.done $0x0  }
0x4e: {  	[sflag:s13] =	ssyncadd.s32 $0xFFFFEC00  }
0x4f: {  	[tilespmem:s16], [sflag:$0x3] =	stream.linear.gather [hbm4b:s9+s4], $0x1400, $0x38;
	[tilespmem:$0x1E400] =	vst v63  }
0x50: {  	_ =	swait.ge [sflag:s13], $0x1400  }
0x51: {  	[sflag:s13] =	ssyncset.done $0x0  }
0x52: {  	[sflag:s13] =	ssyncadd.s32 $0xFFFFEC00  }
0x53: {  	[tilespmem:s14], [sflag:$0x1] =	stream.indirect.gather [hbm4b:s1+s17], $0x80, s4, s17, $0xb8;
	[tilespmem:$0x1E400] =	vst v63  }
0x54: {  	s30 =	simm.s32 $0x80  }
0x55: {  	[tilespmem:s15], [sflag:$0x2] =	stream.indirect.gather [hbm4b:s1+s17], $0x80, s30, s17, $0xb8;
	[tilespmem:$0x1E400] =	vst v63  }
0x56: {  	_ =	swait.ge [sflag:s18], $0x4000  }
0x57: {  	[sflag:s18] =	ssyncset.done $0x0  }
0x58: {  	s31 =	simm.s32 $0x100;
	[sflag:s18] =	ssyncadd.s32 $0xFFFFC000  }
0x59: {  	[tilespmem:s14], [sflag:$0x1] =	stream.indirect.gather [hbm4b:s1+s17], $0x80, s31, s17, $0xb8;
	[tilespmem:$0x1E400] =	vst v63  }
0x5a: {  	_ =	swait.ge [sflag:s19], $0x4000  }
0x5b: {  	s22 =	simm.s32 $0xFFFFEE00;
	s23 =	simm.s32 $0xFFFFBC00;
	[sflag:s19] =	ssyncset.done $0x0  }
.LBB2_4:
0x5c: {  	s24 =	sadd.s32 $0x1380, s22  }
0x5d: {  	[sflag:s19] =	ssyncadd.s32 $0xFFFFC000;
	s25 =	smov.u32 s23;
	s26 =	sadd.s32 $0x400, s23  }
0x5e: {  	[tilespmem:s15], [sflag:$0x2] =	stream.indirect.gather [hbm4b:s1+s17], $0x80, s24, s17, $0xb8;
	[tilespmem:$0x1E400] =	vst v63  }
0x5f: {  	p0 =	sne.s32 s23, $0xFFFFFC00;
	_ =	swait.ge [sflag:s18], $0x4000  }
.Ltmp1:
0x60: {  	[sflag:s18] =	ssyncset.done $0x0;
	(pc) =	sbr.rel @p0 .LBB2_4-.Ltmp1, $4  }
0x61: {  	s22 =	sadd.s32 $0x1400, s22;
	[sflag:s18] =	ssyncadd.s32 $0xFFFFC000  }
0x62: {  	[tilespmem:s14], [sflag:$0x1] =	stream.indirect.gather [hbm4b:s1+s17], $0x80, s22, s17, $0xb8;
	[tilespmem:$0x1E400] =	vst v63  }
0x63: {  	_ =	swait.ge [sflag:s19], $0x4000  }
0x64: {  	s23 =	smov.u32 s26;
	s22 =	sshra.s32 s25, $0x2;
	[sflag:s19] =	ssyncset.done $0x0  }
0x65: {  	s23 =	sadd.s32 $0x1380, s22;
	[sflag:s19] =	ssyncadd.s32 $0xFFFFC000  }
0x66: {  	[tilespmem:s15], [sflag:$0x2] =	stream.indirect.gather [hbm4b:s1+s17], $0x80, s23, s17, $0xb8;
	[tilespmem:$0x1E400] =	vst v63  }
0x67: {  	_ =	swait.ge [sflag:s18], $0x4000  }
0x68: {  	[sflag:s18] =	ssyncset.done $0x0  }
0x69: {  	s31 =	sadd.s32 $0x1400, s22;
	[sflag:s18] =	ssyncadd.s32 $0xFFFFC000  }
0x6a: {  	[tilespmem:s14], [sflag:$0x1] =	stream.indirect.gather [hbm4b:s1+s17], $0x80, s31, s17, $0xb8;
	[tilespmem:$0x1E400] =	vst v63  }
0x6b: {  	_ =	swait.ge [sflag:s19], $0x4000  }
0x6c: {  	[sflag:s19] =	ssyncset.done $0x0  }
0x6d: {  	[sflag:s19] =	ssyncadd.s32 $0xFFFFC000  }
0x6e: {  	[tilespmem:s15], [sflag:$0x2] =	stream.indirect.gather [hbm4b:s1+s17], $0x80, s20, s17, $0xb8;
	[tilespmem:$0x1E400] =	vst v63  }
0x6f: {  	_ =	swait.ge [sflag:s18], $0x4000  }
0x70: {  	[sflag:s18] =	ssyncset.done $0x0  }
0x71: {  	[sflag:s18] =	ssyncadd.s32 $0xFFFFC000  }
0x72: {  	_ =	swait.ge [sflag:s19], $0x4000  }
0x73: {  	s21 =	sadd.s32 $0x1, s21;
	[sflag:s19] =	ssyncset.done $0x0  }
0x74: {  	p0 =	sne.s32 s21, s10;
	[sflag:s19] =	ssyncadd.s32 $0xFFFFC000  }
.Ltmp2:
0x75: {  	[bflag:$0x0] =	sbarrier.arrive $0xFFFF;
	(pc) =	sbr.rel @p0 .LBB2_1-.Ltmp2, $4  }
0x76: {  	[hbm:s11], [sflag:s5] =	dma.local [spmem:s12], $0x2780  }
0x77: {  	_ =	swait.ge [sflag:s13], $0x2780  }
0x78: {  	[sflag:s13] =	ssyncset.done $0x0  }
0x79: {  	[sflag:s13] =	ssyncadd.s32 $0xFFFFD880  }
0x7a: {  	_ =	sfence.sel $0x180000  }
0x7b: {  	[bflag:$0x0] =	sbarrier.arrive $0xFFFF  }
0x7c: {  	p0 =	sne.s32 s3, $0x0;
	_ =	strace $0x9000004A  }
0x7d: {  	s0 =	sadd.s32 @!p0 $0x100000, s0;
	[bflag:$0x2] =	sbarrier.arrive $0xFFFF  }
0x7e: {  	[sflag:s0] =	ssyncadd.tile.s32 @!p0 $0x1;
	_ =	shalt  }
.Lfunc_end2:
_tile_overlayer_lowered:
.L_overlay_start_2:
0x7f: {  	(tag) =	ssettag $0x2  }
0x80: {  	s0 =	rddreg [dreg:$0x0];
	s2 =	stileid.u32  }
0x81: {  	s1 =	rddreg [dreg:$0x1];
	p0 =	sne.s32 s2, $0x0  }
0x82: {  	s3 =	rddreg [dreg:$0x2];
	[bflag:$0x3] =	sbarrier.arrive $0xFFFF;
	s2 =	simm.s32 @!p0 $0x1C03  }
0x83: {  	[timem:s3], [sflag:s2] =	dma.local @!p0 [hbm:s0], s1  }
0x84: {  	s0 =	simm.s32 @!p0 $0x3  }
0x85: {  	_ =	swait.ge @!p0 [sflag:s0], s1  }
0x86: {  	s1 =	ssub.s32 @!p0 $0x0, s1;
	[sflag:s0] =	ssyncset.done @!p0 $0x0  }
0x87: {  	[sflag:s0] =	ssyncadd.s32 @!p0 s1  }
0x88: {  	[bflag:$0x3] =	sbarrier.arrive $0xFFFF  }
0x89: {  	_ =	shalt  }

// kernel: kernel.7.cloned.1.call-start
scs
__scs_entry_jumppad:
0x0: {  	(pc) =	sbr.rel $0x88, $3  }
0x1: {  	(tag) =	ssettag $0x0;
	lr =	simm.s32 $0x1  }
0x2: {  	[smem:$0x3F9B] =	sst lr;
	_ =	strace $0xD0000000  }
0x3: {  	_ = 	snop  }
0x4: {  	_ = 	snop  }
0x5: {  	_ = 	snop  }
0x6: {  	_ = 	snop  }
0x7: {  	_ = 	snop  }
__scs_overlays_trampoline_lowered:
0x8: {  	[smem:$0x3FAA] =	sst s0  }
0x9: {  	[smem:$0x3FAB] =	sst s1  }
0xa: {  	[smem:$0x3FAC] =	sst s2  }
0xb: {  	[smem:$0x3FAD] =	sst s3  }
0xc: {  	[smem:$0x3FAE] =	sst s4  }
0xd: {  	[smem:$0x3FAF] =	sst s5  }
0xe: {  	[smem:$0x3FB0] =	sst s6  }
0xf: {  	[smem:$0x3FB1] =	sst s7  }
0x10: {  	[smem:$0x3FB2] =	sst s8  }
0x11: {  	[smem:$0x3FB3] =	sst s9;
	s0 =	simm.s32 @!p0 $0x0  }
0x12: {  	s1 =	sld [smem:$0x3F99];
	s0 =	simm.s32 @p0 $0x1  }
0x13: {  	[smem:$0x3FB4] =	sst s0;
	s0 =	simm.s32 @!p1 $0x0  }
0x14: {  	s2 =	sld [smem:$0x3F98];
	s0 =	simm.s32 @p1 $0x1  }
0x15: {  	[smem:$0x3FB5] =	sst s0;
	s0 =	simm.s32 @!p2 $0x0  }
0x16: {  	s3 =	sld [smem:$0x3FDB];
	s0 =	simm.s32 @p2 $0x1  }
0x17: {  	s4 =	simm.s32 $0x1BF5;
	[smem:$0x3FB7] =	sst s0  }
0x18: {  	s0 =	sld [smem:$0x3F9A];
	_ =	swait.ge [sflag:s4], $0x0  }
0x19: {  	s7 =	sld [smem:$0x3F9B]  }
0x1a: {  	s8 =	sadd.s32 $0xFFFFE003, lr  }
0x1b: {  	s9 =	sadd.s32 $0xFFFFFEF7, lr;
	s5 =	simm.s32 $0xFFFFFFFF;
	p2 =	slt.u32 s8, $0xFFFFF086  }
0x1c: {  	p1 =	slt.u32 s9, $0xF7A;
	s5 =	simm.s32 @!p2 $0x0  }
0x1d: {  	s5 =	simm.s32 @p1 $0x1;
	p0 =	seq.s32 s7, s2  }
0x1e: {  	s7 =	smul.u32 @!p0 $0xF7A, s2;
	p2 =	seq.s32 @!p0 s5, $0x0  }
0x1f: {  	s9 =	smul.u32 $0xF7A, s1;
	s8 =	simm.s32 @!p0 $0x1BF5;
	p2 =	por !p2, p0  }
0x20: {  	[sflag:s8] =	ssyncset.s32 @!p0 $0xFFFFF086;
	s6 =	sadd.s32 @!p0 s3, s7;
	s7 =	simm.s32 @!p0 $0x108  }
0x21: {  	s3 =	sadd.s32 s3, s9;
	s6 =	sadd.s32 @!p0 $0x88, s6;
	s7 =	simm.s32 @p2 $0x1082  }
0x22: {  	[simem:s7], [sflag:s8] =	dma.local @!p0 [hbm:s6], $0xF7A  }
0x23: {  	s9 =	sor.u32 $0xD0000000, s2;
	s6 =	simm.s32 $0x108;
	_ =	swait.ge @!p0 [sflag:s8], $0x0  }
0x24: {  	s3 =	sadd.s32 $0x88, s3;
	s6 =	simm.s32 @!p1 $0x1082;
	[sflag:s4] =	ssyncset.s32 $0xFFFFF086  }
0x25: {  	[simem:s6], [sflag:s4] =	dma.local [hbm:s3], $0xF7A  }
0x26: {  	[smem:$0x3F9B] =	sst s1;
	(tag) =	ssettag s2;
	_ =	strace s9  }
0x27: {  	s1 =	sld [smem:$0x3FAB]  }
0x28: {  	s2 =	sld [smem:$0x3FAC]  }
0x29: {  	s4 =	sld [smem:$0x3FAE]  }
0x2a: {  	p0 =	seq.s32 s5, $0x0;
	s5 =	sld [smem:$0x3FAF]  }
0x2b: {  	s6 =	sld [smem:$0x3FB0]  }
0x2c: {  	s7 =	sld [smem:$0x3FB1]  }
0x2d: {  	s3 =	simm.s32 $0x108;
	s8 =	sld [smem:$0x3FB2]  }
0x2e: {  	s3 =	simm.s32 @!p0 $0x1082;
	s9 =	sld [smem:$0x3FB3]  }
0x2f: {  	lr =	sadd.s32 s0, s3;
	s0 =	sld [smem:$0x3FAA]  }
0x30: {  	s3 =	sld [smem:$0x3FAD]  }
0x31: {  	[smem:$0x3FB6] =	sst s10  }
0x32: {  	s10 =	sld [smem:$0x3FB4];
	_ =	sdelay $0x3  }
0x33: {  	p0 =	seq.s32 s10, $0x1;
	s10 =	sld [smem:$0x3FB6];
	_ =	sdelay $0x3  }
0x34: {  	[smem:$0x3FB6] =	sst s10  }
0x35: {  	s10 =	sld [smem:$0x3FB5];
	_ =	sdelay $0x3  }
0x36: {  	p1 =	seq.s32 s10, $0x1;
	s10 =	sld [smem:$0x3FB6];
	_ =	sdelay $0x3  }
0x37: {  	[smem:$0x3FB6] =	sst s10  }
0x38: {  	s10 =	sld [smem:$0x3FB7]  }
0x39: {  	_ = 	snop;
	(pc) =	sbr.ind lr, $3  }
0x3a: {  	_ = 	snop  }
0x3b: {  	_ = 	snop  }
0x3c: {  	p2 =	seq.s32 s10, $0x1;
	s10 =	sld [smem:$0x3FB6]  }
0x3d: {  	_ =	shalt  }
0x3e: {  	_ =	shalt  }
0x3f: {  	_ =	shalt  }
0x40: {  	_ =	shalt  }
0x41: {  	_ =	shalt  }
0x42: {  	_ =	shalt  }
0x43: {  	_ =	shalt  }
0x44: {  	_ =	shalt  }
0x45: {  	_ =	shalt  }
0x46: {  	_ =	shalt  }
0x47: {  	_ =	shalt  }
0x48: {  	_ =	shalt  }
0x49: {  	_ =	shalt  }
0x4a: {  	_ =	shalt  }
0x4b: {  	_ =	shalt  }
0x4c: {  	_ =	shalt  }
0x4d: {  	_ =	shalt  }
0x4e: {  	_ =	shalt  }
0x4f: {  	_ =	shalt  }
0x50: {  	_ =	shalt  }
0x51: {  	_ =	shalt  }
0x52: {  	_ =	shalt  }
0x53: {  	_ =	shalt  }
0x54: {  	_ =	shalt  }
0x55: {  	_ =	shalt  }
0x56: {  	_ =	shalt  }
0x57: {  	_ =	shalt  }
0x58: {  	_ =	shalt  }
0x59: {  	_ =	shalt  }
0x5a: {  	_ =	shalt  }
0x5b: {  	_ =	shalt  }
0x5c: {  	_ =	shalt  }
0x5d: {  	_ =	shalt  }
0x5e: {  	_ =	shalt  }
0x5f: {  	_ =	shalt  }
0x60: {  	_ =	shalt  }
0x61: {  	_ =	shalt  }
0x62: {  	_ =	shalt  }
0x63: {  	_ =	shalt  }
0x64: {  	_ =	shalt  }
0x65: {  	_ =	shalt  }
0x66: {  	_ =	shalt  }
0x67: {  	_ =	shalt  }
0x68: {  	_ =	shalt  }
0x69: {  	_ =	shalt  }
0x6a: {  	_ =	shalt  }
0x6b: {  	_ =	shalt  }
0x6c: {  	_ =	shalt  }
0x6d: {  	_ =	shalt  }
0x6e: {  	_ =	shalt  }
0x6f: {  	_ =	shalt  }
0x70: {  	_ =	shalt  }
0x71: {  	_ =	shalt  }
0x72: {  	_ =	shalt  }
0x73: {  	_ =	shalt  }
0x74: {  	_ =	shalt  }
0x75: {  	_ =	shalt  }
0x76: {  	_ =	shalt  }
0x77: {  	_ =	shalt  }
0x78: {  	_ =	shalt  }
0x79: {  	_ =	shalt  }
0x7a: {  	_ =	shalt  }
0x7b: {  	_ =	shalt  }
0x7c: {  	_ =	shalt  }
0x7d: {  	_ =	shalt  }
0x7e: {  	_ =	shalt  }
0x7f: {  	_ =	shalt  }
0x80: {  	_ =	shalt  }
0x81: {  	_ =	shalt  }
0x82: {  	_ =	shalt  }
0x83: {  	_ =	shalt  }
0x84: {  	_ =	shalt  }
0x85: {  	_ =	shalt  }
0x86: {  	_ =	shalt  }
0x87: {  	_ =	shalt  }
.Lfunc_end0:
.L_simem_size_0:
called_computation.1_lowered:
.L_overlay_start_0:
0x88: {  	s2 =	sld [smem:$0x3FD9]  }
0x89: {  	s3 =	sld [smem:$0x3FFE];
	_ =	sdelay $0x1  }
0x8a: {  	s1 =	srdreg.scid  }
0x8b: {  	s0 =	sand.u32 $0x1, s1  }
0x8c: {  	s17 =	sshll.u32 s0, $0xA;
	s2 =	sadd.s32 s3, s2  }
0x8d: {  	s2 =	sadd.s32 s2, s17  }
0x8e: {  	[smem:$0x3FC2] =	sst s2  }
0x8f: {  	_ = 	snop  }
0x90: {  	s2 =	sld [smem:$0x3FD0];
	(tm) =	ssettm $0x1  }
0x91: {  	s18 =	sld [smem:$0x3FFB];
	_ =	sdelay $0x3  }
0x92: {  	_ =	strace s18  }
0x93: {  	s3 =	sld [smem:$0x3FFC];
	_ =	sdelay $0x3  }
0x94: {  	_ =	strace s3  }
0x95: {  	s3 =	sld [smem:$0x3FFD];
	_ =	sdelay $0x3  }
0x96: {  	_ =	strace s3  }
0x97: {  	_ =	strace $0x8FFFFFFF  }
0x98: {  	s19 =	sld [smem:$0x3FDB];
	_ =	sdelay $0x1  }
0x99: {  	s4 =	simm.s32 $_scs_section_size  }
0x9a: {  	s5 =	simm.s32 $_size__tile_overlayer_lowered;
	s6 =	simm.s32 $_tile_overlayer_lowered  }
0x9b: {  	s22 =	simm.s32 $0x1BFF;
	s21 =	sshll.u32 s6, $0x1;
	s3 =	sadd.s32 s4, s19  }
0x9c: {  	s7 =	simm.s32 $0x0;
	s20 =	sshll.u32 s5, $0x1;
	s5 =	sadd.s32 s21, s3  }
0x9d: {  	[timem:s7], [sflag:s22] =	dma.local [hbm:s5], s20  }
0x9e: {  	_ =	swait.ge [sflag:s22], s20  }
0x9f: {  	s4 =	ssub.s32 $0x0, s20;
	[sflag:s22] =	ssyncset.done $0x0  }
0xa0: {  	[sflag:s22] =	ssyncadd.s32 s4;
	_ =	sdelay $0x1  }
0xa1: {  	s23 =	simm.s32 $0x1B8B  }
0xa2: {  	_ =	swait.ge [sflag:s23], $0x1  }
0xa3: {  	[sflag:s23] =	ssyncset.done $0x0  }
0xa4: {  	s25 =	simm.s32 $0x1B8E;
	s24 =	sld [smem:$0x3FFE];
	[sflag:s23] =	ssyncadd.s32 $0xFFFFFFFF  }
0xa5: {  	s26 =	simm.s32 $execute0_lowered;
	[smem:$0x3FD2] =	sst s25  }
0xa6: {  	s5 =	sshll.u32 s26, $0x1;
	_ =	strace $0x80000046;
	[dreg:$0x1] =	wrdreg $0xFFFFFFFF  }
0xa7: {  	s28 =	simm.s32 $_size_execute0_lowered;
	s3 =	sadd.s32 s3, s5;
	[dreg:$0x0] =	wrdreg $0x0  }
0xa8: {  	s5 =	sshll.u32 s28, $0x1;
	[dreg:$0x2] =	wrdreg s3  }
0xa9: {  	[dreg:$0x3] =	wrdreg s5  }
0xaa: {  	[dreg:$0x4] =	wrdreg $0xC0  }
0xab: {  	_ =	task [dreg:s7], $0x5FFFF  }
0xac: {  	[dreg:$0x1] =	wrdreg $0xFFFFFFFF  }
0xad: {  	[dreg:$0x0] =	wrdreg $0x60  }
0xae: {  	[dreg:$0x2] =	wrdreg s24  }
0xaf: {  	[dreg:$0x3] =	wrdreg s2  }
0xb0: {  	[dreg:$0x4] =	wrdreg $0xA8000  }
0xb1: {  	[dreg:$0x5] =	wrdreg $0xA  }
0xb2: {  	_ =	task.clear_ibuf [dreg:s7], $0x6FFFF;
	_ =	strace $0x90000046  }
0xb3: {  	s29 =	simm.s32 $0xA;
	_ =	strace $0x80000048  }
0xb4: {  	_ =	swait.ge [sflag:s29], $0x1  }
0xb5: {  	[sflag:s29] =	ssyncadd.s32 $0xFFFFFFFF  }
0xb6: {  	_ =	strace $0x90000048  }
0xb7: {  	_ =	sfence  }
0xb8: {  	s30 =	sld [smem:$0x0];
	_ =	sdelay $0x2  }
0xb9: {  	s31 =	sshll.u32 s1, $0xD;
	s1 =	sshrl.u32 s1, $0x2  }
0xba: {  	s3 =	sand.u32 $0x4000, s31;
	s1 =	sadd.s32 s1, s30  }
0xbb: {  	s0 =	sor.u32 s3, s0;
	s1 =	sshll.u32 s1, $0x11  }
0xbc: {  	s0 =	sor.u32 s1, s0  }
0xbd: {  	s0 =	sadd.s32 $0x8F2B, s0  }
0xbe: {  	[sflag:s0] =	ssyncadd.remote.s32 $0x1  }
0xbf: {  	_ =	sfence.sel $0xFFFF  }
0xc0: {  	[dreg:$0x0] =	wrdreg $0xFFFFFFFF;
	(pc) =	sbr.abs _section_cstart, $3  }
0xc1: {  	[dreg:$0x1] =	wrdreg $0xFFFFFFFF  }
0xc2: {  	_ =	task.clear_ibuf [dreg:s7], $0x2FFFF;
	_ =	strace $0x9FFFFFFF  }
0xc3: {  	(tm) =	ssettm $0x7FFFFFFF  }
tec
execute0_lowered:
.L_overlay_start_1:
0x0: {  	(tag) =	ssettag $0x1  }
0x1: {  	s10 =	rddreg [dreg:$0x0]  }
0x2: {  	s1 =	rddreg [dreg:$0x1]  }
0x3: {  	s3 =	rddreg [dreg:$0x2]  }
0x4: {  	s0 =	rddreg [dreg:$0x3]  }
0x5: {  	s4 =	simm.s32 $0x0;
	s5 =	srdreg.scid;
	s2 =	stileid.u32  }
0x6: {  	s15 =	simm.s32 $0x3CE00;
	s17 =	simm.s32 $0x80;
	s18 =	simm.s32 $0x1  }
0x7: {  	s19 =	simm.s32 $0x2;
	s20 =	simm.s32 $0x2780;
	s21 =	simm.s32 $0x0  }
0x8: {  	[smem:$0x7FF] =	sst s4;
	s8 =	sand.u32 $0x1, s5;
	s26 =	sshll.u32 s2, $0x1  }
0x9: {  	s7 =	smul.u32 $0x4F000, s2;
	s11 =	sadd.s32 $0x1600, s10;
	s12 =	sadd.s32 $0xB600, s10  }
0xa: {  	s29 =	sshll.u32 s2, $0x6;
	s16 =	smul.u32 $0x2780, s2;
	s6 =	ssub.s32 $0x2, s8  }
0xb: {  	s5 =	sor.u32 s8, s26;
	_ =	strace $0x80000047;
	p0 =	seq.s32 s8, $0x1  }
0xc: {  	s9 =	sshrl.u32 s6, $0x1;
	s5 =	smul.u32 $0x2800, s5;
	s28 =	sshrl.u32 s7, $0x2  }
0xd: {  	s15 =	simm.s32 @!p0 $0x15600;
	s13 =	ssub.s32 s6, s9;
	s14 =	sadd.s32 s28, s3  }
0xe: {  	s31 =	sadd.s32 s15, s10;
	s15 =	simm.s32 $0x6800;
	s30 =	sshrl.u32 s5, $0x3  }
0xf: {  	s5 =	sor.u32 $0x1C03, s29;
	s10 =	smax.u32 s13, $0x1;
	s13 =	simm.s32 $0x3  }
0x10: {  	s6 =	sadd.s32 s11, s30;
	s7 =	sadd.s32 s12, s30;
	s9 =	sadd.s32 $0x280, s30  }
0x11: {  	s8 =	sadd.s32 s11, s9;
	s9 =	sadd.s32 s12, s9;
	s11 =	sadd.s32 s31, s16  }
0x12: {  	s12 =	sshrl.u32 s14, $0x3;
	s14 =	simm.s32 $0x2800;
	s16 =	simm.s32 $0x1400  }
.LBB2_1:
0x13: {  	[spmem:s12], [sflag:s5] =	dma.local [hbm:s1], $0x2780  }
0x14: {  	_ =	swait.ge [sflag:s13], $0x2780  }
0x15: {  	[sflag:s13] =	ssyncset.done $0x0  }
0x16: {  	[sflag:s13] =	ssyncadd.s32 $0xFFFFD880  }
0x17: {  	[tilespmem:s14], [sflag:$0x3] =	stream.linear.gather [hbm4b:s1+s4], $0x4000, $0x38;
	[tilespmem:$0x1E400] =	vst v63  }
0x18: {  	_ =	swait.ge [sflag:s13], $0x4000  }
0x19: {  	[sflag:s13] =	ssyncset.done $0x0  }
0x1a: {  	[sflag:s13] =	ssyncadd.s32 $0xFFFFC000  }
0x1b: {  	[tilespmem:s15], [sflag:$0x3] =	stream.linear.gather [hbm4b:s1+s4], $0x4000, $0x38;
	[tilespmem:$0x1E400] =	vst v63  }
0x1c: {  	_ =	swait.ge [sflag:s13], $0x4000  }
0x1d: {  	[sflag:s13] =	ssyncset.done $0x0  }
0x1e: {  	[sflag:s13] =	ssyncadd.s32 $0xFFFFC000  }
0x1f: {  	[bflag:$0x0] =	sbarrier.arrive $0xFFFF  }
0x20: {  	[tilespmem:s4], [sflag:$0x3] =	stream.linear.gather [hbm4b:s6+s4], $0x1400, $0x38;
	[tilespmem:$0x1E400] =	vst v63  }
0x21: {  	_ =	swait.ge [sflag:s13], $0x1400  }
0x22: {  	[sflag:s13] =	ssyncset.done $0x0  }
0x23: {  	[sflag:s13] =	ssyncadd.s32 $0xFFFFEC00  }
0x24: {  	[tilespmem:s16], [sflag:$0x3] =	stream.linear.gather [hbm4b:s7+s4], $0x1400, $0x38;
	[tilespmem:$0x1E400] =	vst v63  }
0x25: {  	_ =	swait.ge [sflag:s13], $0x1400  }
0x26: {  	[sflag:s13] =	ssyncset.done $0x0  }
0x27: {  	[sflag:s13] =	ssyncadd.s32 $0xFFFFEC00  }
0x28: {  	[spmem:s3] =	stream.indirect.scatter.add.f32 [tilespmem:s14], [sflag:$0x1], $0x80, s16, s17, $0xb8;
	[tilespmem:$0x1E400] =	vst v63  }
0x29: {  	s22 =	simm.s32 $0x1480  }
0x2a: {  	[spmem:s3] =	stream.indirect.scatter.add.f32 [tilespmem:s15], [sflag:$0x2], $0x80, s22, s17, $0xb8;
	[tilespmem:$0x1E400] =	vst v63  }
0x2b: {  	_ =	swait.ge [sflag:s18], $0x4000  }
0x2c: {  	[sflag:s18] =	ssyncset.done $0x0  }
0x2d: {  	s31 =	simm.s32 $0x1500;
	[sflag:s18] =	ssyncadd.s32 $0xFFFFC000  }
0x2e: {  	[spmem:s3] =	stream.indirect.scatter.add.f32 [tilespmem:s14], [sflag:$0x1], $0x80, s31, s17, $0xb8;
	[tilespmem:$0x1E400] =	vst v63  }
0x2f: {  	_ =	swait.ge [sflag:s19], $0x4000  }
0x30: {  	s23 =	simm.s32 $0xFFFFBC00;
	s22 =	simm.s32 $0xFFFFEE00;
	[sflag:s19] =	ssyncset.done $0x0  }
.LBB2_2:
0x31: {  	s24 =	sadd.s32 $0x2780, s22  }
0x32: {  	[sflag:s19] =	ssyncadd.s32 $0xFFFFC000;
	s25 =	smov.u32 s23;
	s26 =	sadd.s32 $0x400, s23  }
0x33: {  	[spmem:s3] =	stream.indirect.scatter.add.f32 [tilespmem:s15], [sflag:$0x2], $0x80, s24, s17, $0xb8;
	[tilespmem:$0x1E400] =	vst v63  }
0x34: {  	p0 =	sne.s32 s23, $0xFFFFFC00;
	_ =	swait.ge [sflag:s18], $0x4000  }
.Ltmp0:
0x35: {  	[sflag:s18] =	ssyncset.done $0x0;
	(pc) =	sbr.rel @p0 .LBB2_2-.Ltmp0, $4  }
0x36: {  	s22 =	sadd.s32 $0x2800, s22;
	[sflag:s18] =	ssyncadd.s32 $0xFFFFC000  }
0x37: {  	[spmem:s3] =	stream.indirect.scatter.add.f32 [tilespmem:s14], [sflag:$0x1], $0x80, s22, s17, $0xb8;
	[tilespmem:$0x1E400] =	vst v63  }
0x38: {  	_ =	swait.ge [sflag:s19], $0x4000  }
0x39: {  	s23 =	smov.u32 s26;
	s22 =	sshra.s32 s25, $0x2;
	[sflag:s19] =	ssyncset.done $0x0  }
0x3a: {  	s23 =	sadd.s32 $0x2780, s22;
	[sflag:s19] =	ssyncadd.s32 $0xFFFFC000  }
0x3b: {  	[spmem:s3] =	stream.indirect.scatter.add.f32 [tilespmem:s15], [sflag:$0x2], $0x80, s23, s17, $0xb8;
	[tilespmem:$0x1E400] =	vst v63  }
0x3c: {  	_ =	swait.ge [sflag:s18], $0x4000  }
0x3d: {  	[sflag:s18] =	ssyncset.done $0x0  }
0x3e: {  	s29 =	sadd.s32 $0x2800, s22;
	[sflag:s18] =	ssyncadd.s32 $0xFFFFC000  }
0x3f: {  	[spmem:s3] =	stream.indirect.scatter.add.f32 [tilespmem:s14], [sflag:$0x1], $0x80, s29, s17, $0xb8;
	[tilespmem:$0x1E400] =	vst v63  }
0x40: {  	_ =	swait.ge [sflag:s19], $0x4000  }
0x41: {  	[sflag:s19] =	ssyncset.done $0x0  }
0x42: {  	[sflag:s19] =	ssyncadd.s32 $0xFFFFC000  }
0x43: {  	[spmem:s3] =	stream.indirect.scatter.add.f32 [tilespmem:s15], [sflag:$0x2], $0x80, s20, s17, $0xb8;
	[tilespmem:$0x1E400] =	vst v63  }
0x44: {  	_ =	swait.ge [sflag:s18], $0x4000  }
0x45: {  	[sflag:s18] =	ssyncset.done $0x0  }
0x46: {  	[sflag:s18] =	ssyncadd.s32 $0xFFFFC000  }
0x47: {  	_ =	swait.ge [sflag:s19], $0x4000  }
0x48: {  	[sflag:s19] =	ssyncset.done $0x0  }
0x49: {  	[sflag:s19] =	ssyncadd.s32 $0xFFFFC000  }
0x4a: {  	[tilespmem:s4], [sflag:$0x3] =	stream.linear.gather [hbm4b:s8+s4], $0x1400, $0x38;
	[tilespmem:$0x1E400] =	vst v63  }
0x4b: {  	_ =	swait.ge [sflag:s13], $0x1400  }
0x4c: {  	[sflag:s13] =	ssyncset.done $0x0  }
0x4d: {  	[sflag:s13] =	ssyncadd.s32 $0xFFFFEC00  }
0x4e: {  	[tilespmem:s16], [sflag:$0x3] =	stream.linear.gather [hbm4b:s9+s4], $0x1400, $0x38;
	[tilespmem:$0x1E400] =	vst v63  }
0x4f: {  	_ =	swait.ge [sflag:s13], $0x1400  }
0x50: {  	[sflag:s13] =	ssyncset.done $0x0  }
0x51: {  	[sflag:s13] =	ssyncadd.s32 $0xFFFFEC00  }
0x52: {  	[spmem:s3] =	stream.indirect.scatter.add.f32 [tilespmem:s14], [sflag:$0x1], $0x80, s16, s17, $0xb8;
	[tilespmem:$0x1E400] =	vst v63  }
0x53: {  	s30 =	simm.s32 $0x1480  }
0x54: {  	[spmem:s3] =	stream.indirect.scatter.add.f32 [tilespmem:s15], [sflag:$0x2], $0x80, s30, s17, $0xb8;
	[tilespmem:$0x1E400] =	vst v63  }
0x55: {  	_ =	swait.ge [sflag:s18], $0x4000  }
0x56: {  	[sflag:s18] =	ssyncset.done $0x0  }
0x57: {  	s31 =	simm.s32 $0x1500;
	[sflag:s18] =	ssyncadd.s32 $0xFFFFC000  }
0x58: {  	[spmem:s3] =	stream.indirect.scatter.add.f32 [tilespmem:s14], [sflag:$0x1], $0x80, s31, s17, $0xb8;
	[tilespmem:$0x1E400] =	vst v63  }
0x59: {  	_ =	swait.ge [sflag:s19], $0x4000  }
0x5a: {  	s22 =	simm.s32 $0xFFFFEE00;
	s23 =	simm.s32 $0xFFFFBC00;
	[sflag:s19] =	ssyncset.done $0x0  }
.LBB2_4:
0x5b: {  	s24 =	sadd.s32 $0x2780, s22  }
0x5c: {  	[sflag:s19] =	ssyncadd.s32 $0xFFFFC000;
	s25 =	smov.u32 s23;
	s26 =	sadd.s32 $0x400, s23  }
0x5d: {  	[spmem:s3] =	stream.indirect.scatter.add.f32 [tilespmem:s15], [sflag:$0x2], $0x80, s24, s17, $0xb8;
	[tilespmem:$0x1E400] =	vst v63  }
0x5e: {  	p0 =	sne.s32 s23, $0xFFFFFC00;
	_ =	swait.ge [sflag:s18], $0x4000  }
.Ltmp1:
0x5f: {  	[sflag:s18] =	ssyncset.done $0x0;
	(pc) =	sbr.rel @p0 .LBB2_4-.Ltmp1, $4  }
0x60: {  	s22 =	sadd.s32 $0x2800, s22;
	[sflag:s18] =	ssyncadd.s32 $0xFFFFC000  }
0x61: {  	[spmem:s3] =	stream.indirect.scatter.add.f32 [tilespmem:s14], [sflag:$0x1], $0x80, s22, s17, $0xb8;
	[tilespmem:$0x1E400] =	vst v63  }
0x62: {  	_ =	swait.ge [sflag:s19], $0x4000  }
0x63: {  	s23 =	smov.u32 s26;
	s22 =	sshra.s32 s25, $0x2;
	[sflag:s19] =	ssyncset.done $0x0  }
0x64: {  	s23 =	sadd.s32 $0x2780, s22;
	[sflag:s19] =	ssyncadd.s32 $0xFFFFC000  }
0x65: {  	[spmem:s3] =	stream.indirect.scatter.add.f32 [tilespmem:s15], [sflag:$0x2], $0x80, s23, s17, $0xb8;
	[tilespmem:$0x1E400] =	vst v63  }
0x66: {  	_ =	swait.ge [sflag:s18], $0x4000  }
0x67: {  	[sflag:s18] =	ssyncset.done $0x0  }
0x68: {  	s31 =	sadd.s32 $0x2800, s22;
	[sflag:s18] =	ssyncadd.s32 $0xFFFFC000  }
0x69: {  	[spmem:s3] =	stream.indirect.scatter.add.f32 [tilespmem:s14], [sflag:$0x1], $0x80, s31, s17, $0xb8;
	[tilespmem:$0x1E400] =	vst v63  }
0x6a: {  	_ =	swait.ge [sflag:s19], $0x4000  }
0x6b: {  	[sflag:s19] =	ssyncset.done $0x0  }
0x6c: {  	[sflag:s19] =	ssyncadd.s32 $0xFFFFC000  }
0x6d: {  	[spmem:s3] =	stream.indirect.scatter.add.f32 [tilespmem:s15], [sflag:$0x2], $0x80, s20, s17, $0xb8;
	[tilespmem:$0x1E400] =	vst v63  }
0x6e: {  	_ =	swait.ge [sflag:s18], $0x4000  }
0x6f: {  	[sflag:s18] =	ssyncset.done $0x0  }
0x70: {  	[sflag:s18] =	ssyncadd.s32 $0xFFFFC000  }
0x71: {  	_ =	swait.ge [sflag:s19], $0x4000  }
0x72: {  	s21 =	sadd.s32 $0x1, s21;
	[sflag:s19] =	ssyncset.done $0x0  }
0x73: {  	p0 =	sne.s32 s21, s10;
	[sflag:s19] =	ssyncadd.s32 $0xFFFFC000  }
.Ltmp2:
0x74: {  	[bflag:$0x0] =	sbarrier.arrive $0xFFFF;
	(pc) =	sbr.rel @p0 .LBB2_1-.Ltmp2, $4  }
0x75: {  	[hbm:s11], [sflag:s5] =	dma.local [spmem:s12], $0x2780  }
0x76: {  	_ =	swait.ge [sflag:s13], $0x2780  }
0x77: {  	[sflag:s13] =	ssyncset.done $0x0  }
0x78: {  	[sflag:s13] =	ssyncadd.s32 $0xFFFFD880  }
0x79: {  	_ =	sfence.sel $0x180000  }
0x7a: {  	[bflag:$0x0] =	sbarrier.arrive $0xFFFF  }
0x7b: {  	p0 =	sne.s32 s2, $0x0;
	_ =	strace $0x90000047  }
0x7c: {  	s0 =	sadd.s32 @!p0 $0x100000, s0;
	[bflag:$0x2] =	sbarrier.arrive $0xFFFF  }
0x7d: {  	[sflag:s0] =	ssyncadd.tile.s32 @!p0 $0x1;
	_ =	shalt  }
.Lfunc_end2:
_tile_overlayer_lowered:
.L_overlay_start_2:
0x7e: {  	(tag) =	ssettag $0x2  }
0x7f: {  	s0 =	rddreg [dreg:$0x0];
	s2 =	stileid.u32  }
0x80: {  	s1 =	rddreg [dreg:$0x1];
	p0 =	sne.s32 s2, $0x0  }
0x81: {  	s3 =	rddreg [dreg:$0x2];
	[bflag:$0x3] =	sbarrier.arrive $0xFFFF;
	s2 =	simm.s32 @!p0 $0x1C03  }
0x82: {  	[timem:s3], [sflag:s2] =	dma.local @!p0 [hbm:s0], s1  }
0x83: {  	s0 =	simm.s32 @!p0 $0x3  }
0x84: {  	_ =	swait.ge @!p0 [sflag:s0], s1  }
0x85: {  	s1 =	ssub.s32 @!p0 $0x0, s1;
	[sflag:s0] =	ssyncset.done @!p0 $0x0  }
0x86: {  	[sflag:s0] =	ssyncadd.s32 @!p0 s1  }
0x87: {  	[bflag:$0x3] =	sbarrier.arrive $0xFFFF  }
0x88: {  	_ =	shalt  }

</sc_bundles>
